<compile_context>
chip_gen: v7x
topology: tpu7x:2x2x1
jax: 0.10.2.dev20260603
libtpu: 0.0.44.dev20260713+nightly
codegen_flags: <defaults>
</compile_context>

<pallas_src>
import functools

import jax
import jax.numpy as jnp
from jax import lax
from jax.experimental import pallas as pl
from jax.experimental.pallas import tpu as pltpu
from jax.experimental.pallas import tpu_sc as plsc

_E = 8
_TOP_P = 0.7
_EPS = 1e-10
_NC = 2
_NS = 16
_NW = _NC * _NS
_L = 16



def _make_probs_block(tiles_per_step, tpw):
    def body(x_ref, wg_ref, p_ref, ent_ref, ent_acc):
        i = pl.program_id(0)
        nsteps = pl.num_programs(0)

        @pl.when(i == 0)
        def _init():
            ent_acc[...] = jnp.zeros_like(ent_acc)

        x = x_ref[...]
        wg = wg_ref[...]
        logits = jax.lax.dot_general(
            x, wg, (((1,), (1,)), ((), ())),
            preferred_element_type=jnp.float32)
        lt = logits.T

        m = jnp.max(lt, axis=0, keepdims=True)
        ex = jnp.exp(lt - m)
        p = ex / jnp.sum(ex, axis=0, keepdims=True)
        for j in range(tiles_per_step):
            p_ref[j] = p[:, j * tpw:(j + 1) * tpw]
        ent_acc[...] += p * jnp.log(p + _EPS)

        @pl.when(i == nsteps - 1)
        def _fin():
            ent_ref[0, 0] = -jnp.sum(ent_acc[...])

    return body



def _sc_gate(p_hbm, kept_hbm, dec_hbm, imp_hbm, pv, kv, dv, iv):
    tpw = p_hbm.shape[2]
    wid = lax.axis_index("s") * _NC + lax.axis_index("c")
    pltpu.sync_copy(p_hbm.at[wid], pv)

    def chunk(c, acc):
        off = c * _L
        ps = [pv[e, pl.ds(off, _L)] for e in range(_E)]
        cnt = jnp.zeros((_L,), jnp.int32)
        acc = list(acc)
        for e in range(_E):
            s_above = jnp.zeros((_L,), jnp.float32)
            rank = jnp.zeros((_L,), jnp.int32)
            for j in range(_E):
                if j == e:
                    continue
                higher = (ps[j] >= ps[e]) if j < e else (ps[j] > ps[e])
                s_above += jnp.where(higher, ps[j], 0.0)
                rank += jnp.where(higher, 1, 0)
            kept = s_above <= _TOP_P
            kv[e, pl.ds(off, _L)] = jnp.where(kept, 1.0, 0.0)
            cnt += jnp.where(kept, 1, 0)
            contrib = jnp.where(kept, ps[e], 0.0)
            for k in range(_E):
                acc[k] = acc[k] + jnp.where(rank == k, contrib, 0.0)
        dv[pl.ds(off, _L)] = jnp.where(cnt > 1, 1, 0)
        return tuple(acc)

    acc0 = tuple(jnp.zeros((_L,), jnp.float32) for _ in range(_E))
    acc = lax.fori_loop(0, tpw // _L, chunk, acc0)
    for k in range(_E):
        iv[k, :] = acc[k]

    pltpu.sync_copy(kv, kept_hbm.at[wid])
    pltpu.sync_copy(dv, dec_hbm.at[pl.ds(wid * tpw, tpw)])
    pltpu.sync_copy(iv, imp_hbm.at[wid])



def _make_loss_combine(n_tokens):
    def body(imp_ref, ent_ref, loss_ref):
        parts = imp_ref[...]
        per_rank = jnp.sum(parts, axis=0)
        imp = jnp.sum(per_rank, axis=1, keepdims=True)
        mean = jnp.mean(imp)
        var = jnp.sum((imp - mean) ** 2) / (_E - 1)
        loss_imp = var / (mean * mean + _EPS)
        loss_ref[0, 0] = loss_imp + 0.1 * (ent_ref[0, 0] / n_tokens)
    return body


@functools.partial(jax.jit, static_argnames=())
def kernel(x, W_gate, W_noise):
    del W_noise
    b, n, d = x.shape
    e = W_gate.shape[0]
    bn = b * n
    t = 1024
    grid = bn // t
    tpw = bn // _NW
    tps = t // tpw
    x_flat = x.reshape(bn, d)

    p_t, ent = pl.pallas_call(
        _make_probs_block(tps, tpw),
        grid=(grid,),
        in_specs=[
            pl.BlockSpec((t, d), lambda i: (i, 0)),
            pl.BlockSpec((e, d), lambda i: (0, 0)),
        ],
        out_specs=[
            pl.BlockSpec((tps, e, tpw), lambda i: (i, 0, 0)),
            pl.BlockSpec(memory_space=pltpu.SMEM),
        ],
        out_shape=[
            jax.ShapeDtypeStruct((_NW, e, tpw), jnp.float32),
            jax.ShapeDtypeStruct((1, 1), jnp.float32),
        ],
        scratch_shapes=[
            pltpu.VMEM((e, t), jnp.float32),
        ],
        compiler_params=pltpu.CompilerParams(
            dimension_semantics=("arbitrary",),
        ),
    )(x_flat, W_gate)

    gate = pl.kernel(
        _sc_gate,
        out_type=[
            jax.ShapeDtypeStruct((_NW, e, tpw), jnp.float32),
            jax.ShapeDtypeStruct((bn,), jnp.int32),
            jax.ShapeDtypeStruct((_NW, e, _L), jnp.float32),
        ],
        mesh=plsc.VectorSubcoreMesh(
            core_axis_name="c", subcore_axis_name="s",
            num_cores=_NC, num_subcores=_NS),
        scratch_types=[
            pltpu.VMEM((e, tpw), jnp.float32),
            pltpu.VMEM((e, tpw), jnp.float32),
            pltpu.VMEM((tpw,), jnp.int32),
            pltpu.VMEM((e, _L), jnp.float32),
        ],
    )
    kept_t, dec, imp_parts = gate(p_t)

    loss = pl.pallas_call(
        _make_loss_combine(bn),
        in_specs=[
            pl.BlockSpec(memory_space=pltpu.MemorySpace.VMEM),
            pl.BlockSpec(memory_space=pltpu.SMEM),
        ],
        out_specs=pl.BlockSpec(memory_space=pltpu.SMEM),
        out_shape=jax.ShapeDtypeStruct((1, 1), jnp.float32),
    )(imp_parts, ent)

    expert_weights = (
        kept_t.transpose(0, 2, 1).reshape(bn, e).astype(jnp.bool_)
        .reshape(b, n, e))
    expert_decisions = dec.reshape(b, n)
    gating_loss = loss.reshape(())
    return expert_weights, expert_decisions, gating_loss

# --- scband reference (transcript-rebuilt; emitter-appended) ---
"""Pipeline reference for scband-expert-router-58342835749139 (READ-ONLY COPY).

The authoritative reference and input builder live on the scoring server;
editing this copy changes nothing except your own understanding.
"""

import jax, jax.numpy as jnp
import numpy as np

B, N, D = 4, 2048, 2048
NUM_EXPERTS = 8
TOP_P = 0.7


def setup_inputs(seed: int = 0) -> dict:
    key = jax.random.key(seed)
    k1, k2, k3 = jax.random.split(key, 3)
    x = jax.random.normal(k1, (B, N, D), dtype=jnp.float32)
    bound = 1.0 / np.sqrt(D)
    W_gate = jax.random.uniform(k2, (NUM_EXPERTS, D), dtype=jnp.float32, minval=-bound, maxval=bound)
    W_noise = jax.random.uniform(k3, (NUM_EXPERTS, D), dtype=jnp.float32, minval=-bound, maxval=bound)
    return {"x": x, "W_gate": W_gate, "W_noise": W_noise}


def _cv_squared(v):
    eps = 1e-10
    # torch .var() is unbiased (ddof=1)
    return jnp.var(v, ddof=1) / (jnp.mean(v) ** 2 + eps)


def _cross_entropy_loss(p):
    eps = 1e-10
    return -(p * jnp.log(p + eps)).sum(axis=-1).mean()


def reference(x, W_gate, W_noise):
    # eval-mode path (is_training=False): no gaussian noise added, W_noise unused
    b, n, d = x.shape
    x_flat = x.reshape(b * n, d)
    clean_logits = x_flat @ W_gate.T
    logits = jax.nn.softmax(clean_logits, axis=-1)
    loss_dynamic = _cross_entropy_loss(logits)
    # descending sort
    sorted_probs = -jnp.sort(-logits, axis=-1)
    sorted_indices = jnp.argsort(-logits, axis=-1)
    cumulative_probs = jnp.cumsum(sorted_probs, axis=-1)
    mask = cumulative_probs > TOP_P
    threshold_indices = jnp.argmax(mask.astype(jnp.int32), axis=-1)
    threshold_mask = jax.nn.one_hot(threshold_indices, NUM_EXPERTS, dtype=jnp.bool_)
    mask = mask & (~threshold_mask)
    # scatter the kept (mask==0) sorted positions back to original expert order
    rows = jnp.arange(b * n)[:, None]
    inv = ~mask  # positions kept
    top_p_mask = jnp.zeros_like(mask).at[rows, sorted_indices].set(inv)
    sorted_probs = jnp.where(mask, 0.0, sorted_probs)
    loss_importance = _cv_squared(sorted_probs.sum(axis=0))
    lambda_2 = 0.1
    gating_loss = loss_importance + lambda_2 * loss_dynamic
    expert_weights = top_p_mask.reshape(b, n, NUM_EXPERTS)
    active_experts_count = expert_weights.astype(jnp.int32).sum(axis=-1)
    expert_decisions = (active_experts_count > 1).astype(jnp.int32)
    return expert_weights, expert_decisions, gating_loss

if __name__ == "__main__":
    import jax
    _d = setup_inputs()
    print(jax.jit(kernel)(*tuple(_d.values())))

</pallas_src>

<mosaic_0001>
#map = affine_map<(d0, d1) -> (0, 0, 0)>
#map1 = affine_map<(d0, d1) -> (0)>
module attributes {stable_mosaic.version = 14 : i64} {
  func.func @_sc_gate(%arg0: i32, %arg1: i32, %arg2: memref<32x8x256xf32, #tpu.memory_space<hbm>>, %arg3: memref<32x8x256xf32, #tpu.memory_space<hbm>>, %arg4: memref<8192xi32, #tpu.memory_space<hbm>>, %arg5: memref<32x8x16xf32, #tpu.memory_space<hbm>>, %arg6: memref<8x256xf32, #tpu.memory_space<vmem>>, %arg7: memref<8x256xf32, #tpu.memory_space<vmem>>, %arg8: memref<256xi32, #tpu.memory_space<vmem>>, %arg9: memref<8x16xf32, #tpu.memory_space<vmem>>) attributes {dimension_semantics = [#tpu.dimension_semantics<core_parallel>, #tpu.dimension_semantics<subcore_parallel>], iteration_bounds = array<i64: 2, 16>, scalar_prefetch = 0 : i64, scratch_operands = 4 : i64, tpu.core_type = #tpu.core_type<sc_vector_subcore>, window_params = [{transform_indices = #map}, {transform_indices = #map}, {transform_indices = #map1}, {transform_indices = #map}]} {
    %mul3A = arith.constant 2 : i32
    %mul3A_0 = arith.muli %arg1, %mul3A : i32
    %add3A = arith.addi %mul3A_0, %arg0 : i32
    "tpu.region"() ({
      %run_scoped3A = tpu.sem_alloc : memref<!tpu.dma_semaphore, #tpu.memory_space<semaphore_mem>>
      %dma_start3A = arith.constant 0 : i32
      %dma_start3A_70 = arith.constant 0 : i32
      %dma_start3A_71 = tpu.memref_slice %arg2[%add3A, %dma_start3A, %dma_start3A_70] : memref<32x8x256xf32, #tpu.memory_space<hbm>> -> memref<1x8x256xf32, #tpu.memory_space<hbm>>
      %dma_start3A_72 = tpu.memref_squeeze %dma_start3A_71 : memref<1x8x256xf32, #tpu.memory_space<hbm>> -> memref<8x256xf32, #tpu.memory_space<hbm>>
      %dma_start3A_73 = arith.constant 0 : i32
      %dma_start3A_74 = arith.constant 0 : i32
      %dma_start3A_75 = tpu.memref_slice %arg2[%add3A, %dma_start3A_73, %dma_start3A_74] : memref<32x8x256xf32, #tpu.memory_space<hbm>> -> memref<1x8x256xf32, #tpu.memory_space<hbm>>
      %dma_start3A_76 = tpu.memref_squeeze %dma_start3A_75 : memref<1x8x256xf32, #tpu.memory_space<hbm>> -> memref<8x256xf32, #tpu.memory_space<hbm>>
      tpu.enqueue_dma source(%dma_start3A_76 : memref<8x256xf32, #tpu.memory_space<hbm>>) target(%arg6 : memref<8x256xf32, #tpu.memory_space<vmem>>) target_semaphore(%run_scoped3A : memref<!tpu.dma_semaphore, #tpu.memory_space<semaphore_mem>>)
      %dma_wait3A = arith.constant 0 : i32
      %dma_wait3A_77 = arith.constant 0 : i32
      %dma_wait3A_78 = tpu.memref_slice %arg2[%add3A, %dma_wait3A, %dma_wait3A_77] : memref<32x8x256xf32, #tpu.memory_space<hbm>> -> memref<1x8x256xf32, #tpu.memory_space<hbm>>
      %dma_wait3A_79 = tpu.memref_squeeze %dma_wait3A_78 : memref<1x8x256xf32, #tpu.memory_space<hbm>> -> memref<8x256xf32, #tpu.memory_space<hbm>>
      %dma_wait3A_80 = arith.constant 0 : i32
      %dma_wait3A_81 = arith.constant 0 : i32
      %dma_wait3A_82 = tpu.memref_slice %arg2[%add3A, %dma_wait3A_80, %dma_wait3A_81] : memref<32x8x256xf32, #tpu.memory_space<hbm>> -> memref<1x8x256xf32, #tpu.memory_space<hbm>>
      %dma_wait3A_83 = tpu.memref_squeeze %dma_wait3A_82 : memref<1x8x256xf32, #tpu.memory_space<hbm>> -> memref<8x256xf32, #tpu.memory_space<hbm>>
      tpu.wait_dma2 semaphore(%run_scoped3A : memref<!tpu.dma_semaphore, #tpu.memory_space<semaphore_mem>>) src(%dma_wait3A_83 : memref<8x256xf32, #tpu.memory_space<hbm>>) dst(%arg6 : memref<8x256xf32, #tpu.memory_space<vmem>>)
      tpu.yield
    }) : () -> ()
    %broadcast_in_dim3A = arith.constant 0.000000e+00 : f32
    %broadcast_in_dim3A_1 = vector.broadcast %broadcast_in_dim3A : f32 to vector<16xf32>
    %broadcast_in_dim3A_2 = arith.constant 0.000000e+00 : f32
    %broadcast_in_dim3A_3 = vector.broadcast %broadcast_in_dim3A_2 : f32 to vector<16xf32>
    %broadcast_in_dim3A_4 = arith.constant 0.000000e+00 : f32
    %broadcast_in_dim3A_5 = vector.broadcast %broadcast_in_dim3A_4 : f32 to vector<16xf32>
    %broadcast_in_dim3A_6 = arith.constant 0.000000e+00 : f32
    %broadcast_in_dim3A_7 = vector.broadcast %broadcast_in_dim3A_6 : f32 to vector<16xf32>
    %broadcast_in_dim3A_8 = arith.constant 0.000000e+00 : f32
    %broadcast_in_dim3A_9 = vector.broadcast %broadcast_in_dim3A_8 : f32 to vector<16xf32>
    %broadcast_in_dim3A_10 = arith.constant 0.000000e+00 : f32
    %broadcast_in_dim3A_11 = vector.broadcast %broadcast_in_dim3A_10 : f32 to vector<16xf32>
    %broadcast_in_dim3A_12 = arith.constant 0.000000e+00 : f32
    %broadcast_in_dim3A_13 = vector.broadcast %broadcast_in_dim3A_12 : f32 to vector<16xf32>
    %broadcast_in_dim3A_14 = arith.constant 0.000000e+00 : f32
    %broadcast_in_dim3A_15 = vector.broadcast %broadcast_in_dim3A_14 : f32 to vector<16xf32>
    %scan3A = arith.constant 0 : i32
    %scan3A_16 = arith.constant 16 : i32
    %scan3A_17 = arith.addi %scan3A, %scan3A_16 : i32
    %scan3A_18 = arith.constant 1 : i32
    %scan3A_19:8 = scf.for %scan3A_70 = %scan3A to %scan3A_17 step %scan3A_18 iter_args(%scan3A_71 = %broadcast_in_dim3A_1, %scan3A_72 = %broadcast_in_dim3A_3, %scan3A_73 = %broadcast_in_dim3A_5, %scan3A_74 = %broadcast_in_dim3A_7, %scan3A_75 = %broadcast_in_dim3A_9, %scan3A_76 = %broadcast_in_dim3A_11, %scan3A_77 = %broadcast_in_dim3A_13, %scan3A_78 = %broadcast_in_dim3A_15) -> (vector<16xf32>, vector<16xf32>, vector<16xf32>, vector<16xf32>, vector<16xf32>, vector<16xf32>, vector<16xf32>, vector<16xf32>)  : i32 {
      %mul3A_79 = arith.constant 16 : i32
      %mul3A_80 = arith.muli %scan3A_70, %mul3A_79 : i32
      %get3A = arith.constant 0 : i32
      %get3A_81 = arith.index_cast %get3A : i32 to index
      %get3A_82 = arith.index_cast %mul3A_80 : i32 to index
      %get3A_83 = tpu.vector_load %arg6[%get3A_81, %get3A_82] {strides = array<i32>} : memref<8x256xf32, #tpu.memory_space<vmem>>, vector<1x16xf32>,
      %get3A_84 = vector.shape_cast %get3A_83 : vector<1x16xf32> to vector<16xf32>
      %get3A_85 = arith.constant 1 : i32
      %get3A_86 = arith.index_cast %get3A_85 : i32 to index
      %get3A_87 = arith.index_cast %mul3A_80 : i32 to index
      %get3A_88 = tpu.vector_load %arg6[%get3A_86, %get3A_87] {strides = array<i32>} : memref<8x256xf32, #tpu.memory_space<vmem>>, vector<1x16xf32>,
      %get3A_89 = vector.shape_cast %get3A_88 : vector<1x16xf32> to vector<16xf32>
      %get3A_90 = arith.constant 2 : i32
      %get3A_91 = arith.index_cast %get3A_90 : i32 to index
      %get3A_92 = arith.index_cast %mul3A_80 : i32 to index
      %get3A_93 = tpu.vector_load %arg6[%get3A_91, %get3A_92] {strides = array<i32>} : memref<8x256xf32, #tpu.memory_space<vmem>>, vector<1x16xf32>,
      %get3A_94 = vector.shape_cast %get3A_93 : vector<1x16xf32> to vector<16xf32>
      %get3A_95 = arith.constant 3 : i32
      %get3A_96 = arith.index_cast %get3A_95 : i32 to index
      %get3A_97 = arith.index_cast %mul3A_80 : i32 to index
      %get3A_98 = tpu.vector_load %arg6[%get3A_96, %get3A_97] {strides = array<i32>} : memref<8x256xf32, #tpu.memory_space<vmem>>, vector<1x16xf32>,
      %get3A_99 = vector.shape_cast %get3A_98 : vector<1x16xf32> to vector<16xf32>
      %get3A_100 = arith.constant 4 : i32
      %get3A_101 = arith.index_cast %get3A_100 : i32 to index
      %get3A_102 = arith.index_cast %mul3A_80 : i32 to index
      %get3A_103 = tpu.vector_load %arg6[%get3A_101, %get3A_102] {strides = array<i32>} : memref<8x256xf32, #tpu.memory_space<vmem>>, vector<1x16xf32>,
      %get3A_104 = vector.shape_cast %get3A_103 : vector<1x16xf32> to vector<16xf32>
      %get3A_105 = arith.constant 5 : i32
      %get3A_106 = arith.index_cast %get3A_105 : i32 to index
      %get3A_107 = arith.index_cast %mul3A_80 : i32 to index
      %get3A_108 = tpu.vector_load %arg6[%get3A_106, %get3A_107] {strides = array<i32>} : memref<8x256xf32, #tpu.memory_space<vmem>>, vector<1x16xf32>,
      %get3A_109 = vector.shape_cast %get3A_108 : vector<1x16xf32> to vector<16xf32>
      %get3A_110 = arith.constant 6 : i32
      %get3A_111 = arith.index_cast %get3A_110 : i32 to index
      %get3A_112 = arith.index_cast %mul3A_80 : i32 to index
      %get3A_113 = tpu.vector_load %arg6[%get3A_111, %get3A_112] {strides = array<i32>} : memref<8x256xf32, #tpu.memory_space<vmem>>, vector<1x16xf32>,
      %get3A_114 = vector.shape_cast %get3A_113 : vector<1x16xf32> to vector<16xf32>
      %get3A_115 = arith.constant 7 : i32
      %get3A_116 = arith.index_cast %get3A_115 : i32 to index
      %get3A_117 = arith.index_cast %mul3A_80 : i32 to index
      %get3A_118 = tpu.vector_load %arg6[%get3A_116, %get3A_117] {strides = array<i32>} : memref<8x256xf32, #tpu.memory_space<vmem>>, vector<1x16xf32>,
      %get3A_119 = vector.shape_cast %get3A_118 : vector<1x16xf32> to vector<16xf32>
      %broadcast_in_dim3A_120 = arith.constant 0 : i32
      %broadcast_in_dim3A_121 = vector.broadcast %broadcast_in_dim3A_120 : i32 to vector<16xi32>
      %broadcast_in_dim3A_122 = arith.constant 0.000000e+00 : f32
      %broadcast_in_dim3A_123 = vector.broadcast %broadcast_in_dim3A_122 : f32 to vector<16xf32>
      %broadcast_in_dim3A_124 = arith.constant 0 : i32
      %broadcast_in_dim3A_125 = vector.broadcast %broadcast_in_dim3A_124 : i32 to vector<16xi32>
      %gt3A = arith.cmpf ogt, %get3A_89, %get3A_84 : vector<16xf32>
      %jit3A = arith.constant 0.000000e+00 : f32
      %broadcast_in_dim3A_126 = vector.broadcast %jit3A : f32 to vector<16xf32>
      %select_n3A = arith.select %gt3A, %get3A_89, %broadcast_in_dim3A_126 : vector<16xi1>, vector<16xf32>
      %add3A_127 = arith.addf %broadcast_in_dim3A_123, %select_n3A : vector<16xf32>
      %jit3A_128 = arith.constant 1 : i32
      %jit3A_129 = arith.constant 0 : i32
      %broadcast_in_dim3A_130 = vector.broadcast %jit3A_128 : i32 to vector<16xi32>
      %broadcast_in_dim3A_131 = vector.broadcast %jit3A_129 : i32 to vector<16xi32>
      %select_n3A_132 = arith.select %gt3A, %broadcast_in_dim3A_130, %broadcast_in_dim3A_131 : vector<16xi1>, vector<16xi32>
      %add3A_133 = arith.addi %broadcast_in_dim3A_125, %select_n3A_132 : vector<16xi32>
      %gt3A_134 = arith.cmpf ogt, %get3A_94, %get3A_84 : vector<16xf32>
      %jit3A_135 = arith.constant 0.000000e+00 : f32
      %broadcast_in_dim3A_136 = vector.broadcast %jit3A_135 : f32 to vector<16xf32>
      %select_n3A_137 = arith.select %gt3A_134, %get3A_94, %broadcast_in_dim3A_136 : vector<16xi1>, vector<16xf32>
      %add3A_138 = arith.addf %add3A_127, %select_n3A_137 : vector<16xf32>
      %jit3A_139 = arith.constant 1 : i32
      %jit3A_140 = arith.constant 0 : i32
      %broadcast_in_dim3A_141 = vector.broadcast %jit3A_139 : i32 to vector<16xi32>
      %broadcast_in_dim3A_142 = vector.broadcast %jit3A_140 : i32 to vector<16xi32>
      %select_n3A_143 = arith.select %gt3A_134, %broadcast_in_dim3A_141, %broadcast_in_dim3A_142 : vector<16xi1>, vector<16xi32>
      %add3A_144 = arith.addi %add3A_133, %select_n3A_143 : vector<16xi32>
      %gt3A_145 = arith.cmpf ogt, %get3A_99, %get3A_84 : vector<16xf32>
      %jit3A_146 = arith.constant 0.000000e+00 : f32
      %broadcast_in_dim3A_147 = vector.broadcast %jit3A_146 : f32 to vector<16xf32>
      %select_n3A_148 = arith.select %gt3A_145, %get3A_99, %broadcast_in_dim3A_147 : vector<16xi1>, vector<16xf32>
      %add3A_149 = arith.addf %add3A_138, %select_n3A_148 : vector<16xf32>
      %jit3A_150 = arith.constant 1 : i32
      %jit3A_151 = arith.constant 0 : i32
      %broadcast_in_dim3A_152 = vector.broadcast %jit3A_150 : i32 to vector<16xi32>
      %broadcast_in_dim3A_153 = vector.broadcast %jit3A_151 : i32 to vector<16xi32>
      %select_n3A_154 = arith.select %gt3A_145, %broadcast_in_dim3A_152, %broadcast_in_dim3A_153 : vector<16xi1>, vector<16xi32>
      %add3A_155 = arith.addi %add3A_144, %select_n3A_154 : vector<16xi32>
      %gt3A_156 = arith.cmpf ogt, %get3A_104, %get3A_84 : vector<16xf32>
      %jit3A_157 = arith.constant 0.000000e+00 : f32
      %broadcast_in_dim3A_158 = vector.broadcast %jit3A_157 : f32 to vector<16xf32>
      %select_n3A_159 = arith.select %gt3A_156, %get3A_104, %broadcast_in_dim3A_158 : vector<16xi1>, vector<16xf32>
      %add3A_160 = arith.addf %add3A_149, %select_n3A_159 : vector<16xf32>
      %jit3A_161 = arith.constant 1 : i32
      %jit3A_162 = arith.constant 0 : i32
      %broadcast_in_dim3A_163 = vector.broadcast %jit3A_161 : i32 to vector<16xi32>
      %broadcast_in_dim3A_164 = vector.broadcast %jit3A_162 : i32 to vector<16xi32>
      %select_n3A_165 = arith.select %gt3A_156, %broadcast_in_dim3A_163, %broadcast_in_dim3A_164 : vector<16xi1>, vector<16xi32>
      %add3A_166 = arith.addi %add3A_155, %select_n3A_165 : vector<16xi32>
      %gt3A_167 = arith.cmpf ogt, %get3A_109, %get3A_84 : vector<16xf32>
      %jit3A_168 = arith.constant 0.000000e+00 : f32
      %broadcast_in_dim3A_169 = vector.broadcast %jit3A_168 : f32 to vector<16xf32>
      %select_n3A_170 = arith.select %gt3A_167, %get3A_109, %broadcast_in_dim3A_169 : vector<16xi1>, vector<16xf32>
      %add3A_171 = arith.addf %add3A_160, %select_n3A_170 : vector<16xf32>
      %jit3A_172 = arith.constant 1 : i32
      %jit3A_173 = arith.constant 0 : i32
      %broadcast_in_dim3A_174 = vector.broadcast %jit3A_172 : i32 to vector<16xi32>
      %broadcast_in_dim3A_175 = vector.broadcast %jit3A_173 : i32 to vector<16xi32>
      %select_n3A_176 = arith.select %gt3A_167, %broadcast_in_dim3A_174, %broadcast_in_dim3A_175 : vector<16xi1>, vector<16xi32>
      %add3A_177 = arith.addi %add3A_166, %select_n3A_176 : vector<16xi32>
      %gt3A_178 = arith.cmpf ogt, %get3A_114, %get3A_84 : vector<16xf32>
      %jit3A_179 = arith.constant 0.000000e+00 : f32
      %broadcast_in_dim3A_180 = vector.broadcast %jit3A_179 : f32 to vector<16xf32>
      %select_n3A_181 = arith.select %gt3A_178, %get3A_114, %broadcast_in_dim3A_180 : vector<16xi1>, vector<16xf32>
      %add3A_182 = arith.addf %add3A_171, %select_n3A_181 : vector<16xf32>
      %jit3A_183 = arith.constant 1 : i32
      %jit3A_184 = arith.constant 0 : i32
      %broadcast_in_dim3A_185 = vector.broadcast %jit3A_183 : i32 to vector<16xi32>
      %broadcast_in_dim3A_186 = vector.broadcast %jit3A_184 : i32 to vector<16xi32>
      %select_n3A_187 = arith.select %gt3A_178, %broadcast_in_dim3A_185, %broadcast_in_dim3A_186 : vector<16xi1>, vector<16xi32>
      %add3A_188 = arith.addi %add3A_177, %select_n3A_187 : vector<16xi32>
      %gt3A_189 = arith.cmpf ogt, %get3A_119, %get3A_84 : vector<16xf32>
      %jit3A_190 = arith.constant 0.000000e+00 : f32
      %broadcast_in_dim3A_191 = vector.broadcast %jit3A_190 : f32 to vector<16xf32>
      %select_n3A_192 = arith.select %gt3A_189, %get3A_119, %broadcast_in_dim3A_191 : vector<16xi1>, vector<16xf32>
      %add3A_193 = arith.addf %add3A_182, %select_n3A_192 : vector<16xf32>
      %jit3A_194 = arith.constant 1 : i32
      %jit3A_195 = arith.constant 0 : i32
      %broadcast_in_dim3A_196 = vector.broadcast %jit3A_194 : i32 to vector<16xi32>
      %broadcast_in_dim3A_197 = vector.broadcast %jit3A_195 : i32 to vector<16xi32>
      %select_n3A_198 = arith.select %gt3A_189, %broadcast_in_dim3A_196, %broadcast_in_dim3A_197 : vector<16xi1>, vector<16xi32>
      %add3A_199 = arith.addi %add3A_188, %select_n3A_198 : vector<16xi32>
      %le3A = arith.constant 0.699999988 : f32
      %le3A_200 = vector.broadcast %le3A : f32 to vector<16xf32>
      %le3A_201 = arith.cmpf ole, %add3A_193, %le3A_200 : vector<16xf32>
      %jit3A_202 = arith.constant 1.000000e+00 : f32
      %jit3A_203 = arith.constant 0.000000e+00 : f32
      %broadcast_in_dim3A_204 = vector.broadcast %jit3A_202 : f32 to vector<16xf32>
      %broadcast_in_dim3A_205 = vector.broadcast %jit3A_203 : f32 to vector<16xf32>
      %select_n3A_206 = arith.select %le3A_201, %broadcast_in_dim3A_204, %broadcast_in_dim3A_205 : vector<16xi1>, vector<16xf32>
      %swap3A_207 = arith.constant 0 : i32
      %swap3A_208 = arith.index_cast %swap3A_207 : i32 to index
      %swap3A_209 = arith.index_cast %mul3A_80 : i32 to index
      %swap3A_210 = tpu.vector_load %arg7[%swap3A_208, %swap3A_209] {strides = array<i32>} : memref<8x256xf32, #tpu.memory_space<vmem>>, vector<1x16xf32>,
      %swap3A_211 = vector.shape_cast %swap3A_210 : vector<1x16xf32> to vector<16xf32>
      %swap3A_212 = vector.shape_cast %select_n3A_206 : vector<16xf32> to vector<1x16xf32>
      tpu.vector_store %arg7[%swap3A_208, %swap3A_209], %swap3A_212 {strides = array<i32>} : memref<8x256xf32, #tpu.memory_space<vmem>>, vector<1x16xf32>,
      %jit3A_213 = arith.constant 1 : i32
      %jit3A_214 = arith.constant 0 : i32
      %broadcast_in_dim3A_215 = vector.broadcast %jit3A_213 : i32 to vector<16xi32>
      %broadcast_in_dim3A_216 = vector.broadcast %jit3A_214 : i32 to vector<16xi32>
      %select_n3A_217 = arith.select %le3A_201, %broadcast_in_dim3A_215, %broadcast_in_dim3A_216 : vector<16xi1>, vector<16xi32>
      %add3A_218 = arith.addi %broadcast_in_dim3A_121, %select_n3A_217 : vector<16xi32>
      %jit3A_219 = arith.constant 0.000000e+00 : f32
      %broadcast_in_dim3A_220 = vector.broadcast %jit3A_219 : f32 to vector<16xf32>
      %select_n3A_221 = arith.select %le3A_201, %get3A_84, %broadcast_in_dim3A_220 : vector<16xi1>, vector<16xf32>
      %eq3A = arith.constant 0 : i32
      %eq3A_222 = vector.broadcast %eq3A : i32 to vector<16xi32>
      %eq3A_223 = arith.cmpi eq, %add3A_199, %eq3A_222 : vector<16xi32>
      %jit3A_224 = arith.constant 0.000000e+00 : f32
      %broadcast_in_dim3A_225 = vector.broadcast %jit3A_224 : f32 to vector<16xf32>
      %select_n3A_226 = arith.select %eq3A_223, %select_n3A_221, %broadcast_in_dim3A_225 : vector<16xi1>, vector<16xf32>
      %add3A_227 = arith.addf %scan3A_71, %select_n3A_226 : vector<16xf32>
      %eq3A_228 = arith.constant 1 : i32
      %eq3A_229 = vector.broadcast %eq3A_228 : i32 to vector<16xi32>
      %eq3A_230 = arith.cmpi eq, %add3A_199, %eq3A_229 : vector<16xi32>
      %jit3A_231 = arith.constant 0.000000e+00 : f32
      %broadcast_in_dim3A_232 = vector.broadcast %jit3A_231 : f32 to vector<16xf32>
      %select_n3A_233 = arith.select %eq3A_230, %select_n3A_221, %broadcast_in_dim3A_232 : vector<16xi1>, vector<16xf32>
      %add3A_234 = arith.addf %scan3A_72, %select_n3A_233 : vector<16xf32>
      %eq3A_235 = arith.constant 2 : i32
      %eq3A_236 = vector.broadcast %eq3A_235 : i32 to vector<16xi32>
      %eq3A_237 = arith.cmpi eq, %add3A_199, %eq3A_236 : vector<16xi32>
      %jit3A_238 = arith.constant 0.000000e+00 : f32
      %broadcast_in_dim3A_239 = vector.broadcast %jit3A_238 : f32 to vector<16xf32>
      %select_n3A_240 = arith.select %eq3A_237, %select_n3A_221, %broadcast_in_dim3A_239 : vector<16xi1>, vector<16xf32>
      %add3A_241 = arith.addf %scan3A_73, %select_n3A_240 : vector<16xf32>
      %eq3A_242 = arith.constant 3 : i32
      %eq3A_243 = vector.broadcast %eq3A_242 : i32 to vector<16xi32>
      %eq3A_244 = arith.cmpi eq, %add3A_199, %eq3A_243 : vector<16xi32>
      %jit3A_245 = arith.constant 0.000000e+00 : f32
      %broadcast_in_dim3A_246 = vector.broadcast %jit3A_245 : f32 to vector<16xf32>
      %select_n3A_247 = arith.select %eq3A_244, %select_n3A_221, %broadcast_in_dim3A_246 : vector<16xi1>, vector<16xf32>
      %add3A_248 = arith.addf %scan3A_74, %select_n3A_247 : vector<16xf32>
      %eq3A_249 = arith.constant 4 : i32
      %eq3A_250 = vector.broadcast %eq3A_249 : i32 to vector<16xi32>
      %eq3A_251 = arith.cmpi eq, %add3A_199, %eq3A_250 : vector<16xi32>
      %jit3A_252 = arith.constant 0.000000e+00 : f32
      %broadcast_in_dim3A_253 = vector.broadcast %jit3A_252 : f32 to vector<16xf32>
      %select_n3A_254 = arith.select %eq3A_251, %select_n3A_221, %broadcast_in_dim3A_253 : vector<16xi1>, vector<16xf32>
      %add3A_255 = arith.addf %scan3A_75, %select_n3A_254 : vector<16xf32>
      %eq3A_256 = arith.constant 5 : i32
      %eq3A_257 = vector.broadcast %eq3A_256 : i32 to vector<16xi32>
      %eq3A_258 = arith.cmpi eq, %add3A_199, %eq3A_257 : vector<16xi32>
      %jit3A_259 = arith.constant 0.000000e+00 : f32
      %broadcast_in_dim3A_260 = vector.broadcast %jit3A_259 : f32 to vector<16xf32>
      %select_n3A_261 = arith.select %eq3A_258, %select_n3A_221, %broadcast_in_dim3A_260 : vector<16xi1>, vector<16xf32>
      %add3A_262 = arith.addf %scan3A_76, %select_n3A_261 : vector<16xf32>
      %eq3A_263 = arith.constant 6 : i32
      %eq3A_264 = vector.broadcast %eq3A_263 : i32 to vector<16xi32>
      %eq3A_265 = arith.cmpi eq, %add3A_199, %eq3A_264 : vector<16xi32>
      %jit3A_266 = arith.constant 0.000000e+00 : f32
      %broadcast_in_dim3A_267 = vector.broadcast %jit3A_266 : f32 to vector<16xf32>
      %select_n3A_268 = arith.select %eq3A_265, %select_n3A_221, %broadcast_in_dim3A_267 : vector<16xi1>, vector<16xf32>
      %add3A_269 = arith.addf %scan3A_77, %select_n3A_268 : vector<16xf32>
      %eq3A_270 = arith.constant 7 : i32
      %eq3A_271 = vector.broadcast %eq3A_270 : i32 to vector<16xi32>
      %eq3A_272 = arith.cmpi eq, %add3A_199, %eq3A_271 : vector<16xi32>
      %jit3A_273 = arith.constant 0.000000e+00 : f32
      %broadcast_in_dim3A_274 = vector.broadcast %jit3A_273 : f32 to vector<16xf32>
      %select_n3A_275 = arith.select %eq3A_272, %select_n3A_221, %broadcast_in_dim3A_274 : vector<16xi1>, vector<16xf32>
      %add3A_276 = arith.addf %scan3A_78, %select_n3A_275 : vector<16xf32>
      %broadcast_in_dim3A_277 = arith.constant 0.000000e+00 : f32
      %broadcast_in_dim3A_278 = vector.broadcast %broadcast_in_dim3A_277 : f32 to vector<16xf32>
      %broadcast_in_dim3A_279 = arith.constant 0 : i32
      %broadcast_in_dim3A_280 = vector.broadcast %broadcast_in_dim3A_279 : i32 to vector<16xi32>
      %ge3A = arith.cmpf oge, %get3A_84, %get3A_89 : vector<16xf32>
      %jit3A_281 = arith.constant 0.000000e+00 : f32
      %broadcast_in_dim3A_282 = vector.broadcast %jit3A_281 : f32 to vector<16xf32>
      %select_n3A_283 = arith.select %ge3A, %get3A_84, %broadcast_in_dim3A_282 : vector<16xi1>, vector<16xf32>
      %add3A_284 = arith.addf %broadcast_in_dim3A_278, %select_n3A_283 : vector<16xf32>
      %jit3A_285 = arith.constant 1 : i32
      %jit3A_286 = arith.constant 0 : i32
      %broadcast_in_dim3A_287 = vector.broadcast %jit3A_285 : i32 to vector<16xi32>
      %broadcast_in_dim3A_288 = vector.broadcast %jit3A_286 : i32 to vector<16xi32>
      %select_n3A_289 = arith.select %ge3A, %broadcast_in_dim3A_287, %broadcast_in_dim3A_288 : vector<16xi1>, vector<16xi32>
      %add3A_290 = arith.addi %broadcast_in_dim3A_280, %select_n3A_289 : vector<16xi32>
      %gt3A_291 = arith.cmpf ogt, %get3A_94, %get3A_89 : vector<16xf32>
      %jit3A_292 = arith.constant 0.000000e+00 : f32
      %broadcast_in_dim3A_293 = vector.broadcast %jit3A_292 : f32 to vector<16xf32>
      %select_n3A_294 = arith.select %gt3A_291, %get3A_94, %broadcast_in_dim3A_293 : vector<16xi1>, vector<16xf32>
      %add3A_295 = arith.addf %add3A_284, %select_n3A_294 : vector<16xf32>
      %jit3A_296 = arith.constant 1 : i32
      %jit3A_297 = arith.constant 0 : i32
      %broadcast_in_dim3A_298 = vector.broadcast %jit3A_296 : i32 to vector<16xi32>
      %broadcast_in_dim3A_299 = vector.broadcast %jit3A_297 : i32 to vector<16xi32>
      %select_n3A_300 = arith.select %gt3A_291, %broadcast_in_dim3A_298, %broadcast_in_dim3A_299 : vector<16xi1>, vector<16xi32>
      %add3A_301 = arith.addi %add3A_290, %select_n3A_300 : vector<16xi32>
      %gt3A_302 = arith.cmpf ogt, %get3A_99, %get3A_89 : vector<16xf32>
      %jit3A_303 = arith.constant 0.000000e+00 : f32
      %broadcast_in_dim3A_304 = vector.broadcast %jit3A_303 : f32 to vector<16xf32>
      %select_n3A_305 = arith.select %gt3A_302, %get3A_99, %broadcast_in_dim3A_304 : vector<16xi1>, vector<16xf32>
      %add3A_306 = arith.addf %add3A_295, %select_n3A_305 : vector<16xf32>
      %jit3A_307 = arith.constant 1 : i32
      %jit3A_308 = arith.constant 0 : i32
      %broadcast_in_dim3A_309 = vector.broadcast %jit3A_307 : i32 to vector<16xi32>
      %broadcast_in_dim3A_310 = vector.broadcast %jit3A_308 : i32 to vector<16xi32>
      %select_n3A_311 = arith.select %gt3A_302, %broadcast_in_dim3A_309, %broadcast_in_dim3A_310 : vector<16xi1>, vector<16xi32>
      %add3A_312 = arith.addi %add3A_301, %select_n3A_311 : vector<16xi32>
      %gt3A_313 = arith.cmpf ogt, %get3A_104, %get3A_89 : vector<16xf32>
      %jit3A_314 = arith.constant 0.000000e+00 : f32
      %broadcast_in_dim3A_315 = vector.broadcast %jit3A_314 : f32 to vector<16xf32>
      %select_n3A_316 = arith.select %gt3A_313, %get3A_104, %broadcast_in_dim3A_315 : vector<16xi1>, vector<16xf32>
      %add3A_317 = arith.addf %add3A_306, %select_n3A_316 : vector<16xf32>
      %jit3A_318 = arith.constant 1 : i32
      %jit3A_319 = arith.constant 0 : i32
      %broadcast_in_dim3A_320 = vector.broadcast %jit3A_318 : i32 to vector<16xi32>
      %broadcast_in_dim3A_321 = vector.broadcast %jit3A_319 : i32 to vector<16xi32>
      %select_n3A_322 = arith.select %gt3A_313, %broadcast_in_dim3A_320, %broadcast_in_dim3A_321 : vector<16xi1>, vector<16xi32>
      %add3A_323 = arith.addi %add3A_312, %select_n3A_322 : vector<16xi32>
      %gt3A_324 = arith.cmpf ogt, %get3A_109, %get3A_89 : vector<16xf32>
      %jit3A_325 = arith.constant 0.000000e+00 : f32
      %broadcast_in_dim3A_326 = vector.broadcast %jit3A_325 : f32 to vector<16xf32>
      %select_n3A_327 = arith.select %gt3A_324, %get3A_109, %broadcast_in_dim3A_326 : vector<16xi1>, vector<16xf32>
      %add3A_328 = arith.addf %add3A_317, %select_n3A_327 : vector<16xf32>
      %jit3A_329 = arith.constant 1 : i32
      %jit3A_330 = arith.constant 0 : i32
      %broadcast_in_dim3A_331 = vector.broadcast %jit3A_329 : i32 to vector<16xi32>
      %broadcast_in_dim3A_332 = vector.broadcast %jit3A_330 : i32 to vector<16xi32>
      %select_n3A_333 = arith.select %gt3A_324, %broadcast_in_dim3A_331, %broadcast_in_dim3A_332 : vector<16xi1>, vector<16xi32>
      %add3A_334 = arith.addi %add3A_323, %select_n3A_333 : vector<16xi32>
      %gt3A_335 = arith.cmpf ogt, %get3A_114, %get3A_89 : vector<16xf32>
      %jit3A_336 = arith.constant 0.000000e+00 : f32
      %broadcast_in_dim3A_337 = vector.broadcast %jit3A_336 : f32 to vector<16xf32>
      %select_n3A_338 = arith.select %gt3A_335, %get3A_114, %broadcast_in_dim3A_337 : vector<16xi1>, vector<16xf32>
      %add3A_339 = arith.addf %add3A_328, %select_n3A_338 : vector<16xf32>
      %jit3A_340 = arith.constant 1 : i32
      %jit3A_341 = arith.constant 0 : i32
      %broadcast_in_dim3A_342 = vector.broadcast %jit3A_340 : i32 to vector<16xi32>
      %broadcast_in_dim3A_343 = vector.broadcast %jit3A_341 : i32 to vector<16xi32>
      %select_n3A_344 = arith.select %gt3A_335, %broadcast_in_dim3A_342, %broadcast_in_dim3A_343 : vector<16xi1>, vector<16xi32>
      %add3A_345 = arith.addi %add3A_334, %select_n3A_344 : vector<16xi32>
      %gt3A_346 = arith.cmpf ogt, %get3A_119, %get3A_89 : vector<16xf32>
      %jit3A_347 = arith.constant 0.000000e+00 : f32
      %broadcast_in_dim3A_348 = vector.broadcast %jit3A_347 : f32 to vector<16xf32>
      %select_n3A_349 = arith.select %gt3A_346, %get3A_119, %broadcast_in_dim3A_348 : vector<16xi1>, vector<16xf32>
      %add3A_350 = arith.addf %add3A_339, %select_n3A_349 : vector<16xf32>
      %jit3A_351 = arith.constant 1 : i32
      %jit3A_352 = arith.constant 0 : i32
      %broadcast_in_dim3A_353 = vector.broadcast %jit3A_351 : i32 to vector<16xi32>
      %broadcast_in_dim3A_354 = vector.broadcast %jit3A_352 : i32 to vector<16xi32>
      %select_n3A_355 = arith.select %gt3A_346, %broadcast_in_dim3A_353, %broadcast_in_dim3A_354 : vector<16xi1>, vector<16xi32>
      %add3A_356 = arith.addi %add3A_345, %select_n3A_355 : vector<16xi32>
      %le3A_357 = arith.constant 0.699999988 : f32
      %le3A_358 = vector.broadcast %le3A_357 : f32 to vector<16xf32>
      %le3A_359 = arith.cmpf ole, %add3A_350, %le3A_358 : vector<16xf32>
      %jit3A_360 = arith.constant 1.000000e+00 : f32
      %jit3A_361 = arith.constant 0.000000e+00 : f32
      %broadcast_in_dim3A_362 = vector.broadcast %jit3A_360 : f32 to vector<16xf32>
      %broadcast_in_dim3A_363 = vector.broadcast %jit3A_361 : f32 to vector<16xf32>
      %select_n3A_364 = arith.select %le3A_359, %broadcast_in_dim3A_362, %broadcast_in_dim3A_363 : vector<16xi1>, vector<16xf32>
      %swap3A_365 = arith.constant 1 : i32
      %swap3A_366 = arith.index_cast %swap3A_365 : i32 to index
      %swap3A_367 = arith.index_cast %mul3A_80 : i32 to index
      %swap3A_368 = tpu.vector_load %arg7[%swap3A_366, %swap3A_367] {strides = array<i32>} : memref<8x256xf32, #tpu.memory_space<vmem>>, vector<1x16xf32>,
      %swap3A_369 = vector.shape_cast %swap3A_368 : vector<1x16xf32> to vector<16xf32>
      %swap3A_370 = vector.shape_cast %select_n3A_364 : vector<16xf32> to vector<1x16xf32>
      tpu.vector_store %arg7[%swap3A_366, %swap3A_367], %swap3A_370 {strides = array<i32>} : memref<8x256xf32, #tpu.memory_space<vmem>>, vector<1x16xf32>,
      %jit3A_371 = arith.constant 1 : i32
      %jit3A_372 = arith.constant 0 : i32
      %broadcast_in_dim3A_373 = vector.broadcast %jit3A_371 : i32 to vector<16xi32>
      %broadcast_in_dim3A_374 = vector.broadcast %jit3A_372 : i32 to vector<16xi32>
      %select_n3A_375 = arith.select %le3A_359, %broadcast_in_dim3A_373, %broadcast_in_dim3A_374 : vector<16xi1>, vector<16xi32>
      %add3A_376 = arith.addi %add3A_218, %select_n3A_375 : vector<16xi32>
      %jit3A_377 = arith.constant 0.000000e+00 : f32
      %broadcast_in_dim3A_378 = vector.broadcast %jit3A_377 : f32 to vector<16xf32>
      %select_n3A_379 = arith.select %le3A_359, %get3A_89, %broadcast_in_dim3A_378 : vector<16xi1>, vector<16xf32>
      %eq3A_380 = arith.constant 0 : i32
      %eq3A_381 = vector.broadcast %eq3A_380 : i32 to vector<16xi32>
      %eq3A_382 = arith.cmpi eq, %add3A_356, %eq3A_381 : vector<16xi32>
      %jit3A_383 = arith.constant 0.000000e+00 : f32
      %broadcast_in_dim3A_384 = vector.broadcast %jit3A_383 : f32 to vector<16xf32>
      %select_n3A_385 = arith.select %eq3A_382, %select_n3A_379, %broadcast_in_dim3A_384 : vector<16xi1>, vector<16xf32>
      %add3A_386 = arith.addf %add3A_227, %select_n3A_385 : vector<16xf32>
      %eq3A_387 = arith.constant 1 : i32
      %eq3A_388 = vector.broadcast %eq3A_387 : i32 to vector<16xi32>
      %eq3A_389 = arith.cmpi eq, %add3A_356, %eq3A_388 : vector<16xi32>
      %jit3A_390 = arith.constant 0.000000e+00 : f32
      %broadcast_in_dim3A_391 = vector.broadcast %jit3A_390 : f32 to vector<16xf32>
      %select_n3A_392 = arith.select %eq3A_389, %select_n3A_379, %broadcast_in_dim3A_391 : vector<16xi1>, vector<16xf32>
      %add3A_393 = arith.addf %add3A_234, %select_n3A_392 : vector<16xf32>
      %eq3A_394 = arith.constant 2 : i32
      %eq3A_395 = vector.broadcast %eq3A_394 : i32 to vector<16xi32>
      %eq3A_396 = arith.cmpi eq, %add3A_356, %eq3A_395 : vector<16xi32>
      %jit3A_397 = arith.constant 0.000000e+00 : f32
      %broadcast_in_dim3A_398 = vector.broadcast %jit3A_397 : f32 to vector<16xf32>
      %select_n3A_399 = arith.select %eq3A_396, %select_n3A_379, %broadcast_in_dim3A_398 : vector<16xi1>, vector<16xf32>
      %add3A_400 = arith.addf %add3A_241, %select_n3A_399 : vector<16xf32>
      %eq3A_401 = arith.constant 3 : i32
      %eq3A_402 = vector.broadcast %eq3A_401 : i32 to vector<16xi32>
      %eq3A_403 = arith.cmpi eq, %add3A_356, %eq3A_402 : vector<16xi32>
      %jit3A_404 = arith.constant 0.000000e+00 : f32
      %broadcast_in_dim3A_405 = vector.broadcast %jit3A_404 : f32 to vector<16xf32>
      %select_n3A_406 = arith.select %eq3A_403, %select_n3A_379, %broadcast_in_dim3A_405 : vector<16xi1>, vector<16xf32>
      %add3A_407 = arith.addf %add3A_248, %select_n3A_406 : vector<16xf32>
      %eq3A_408 = arith.constant 4 : i32
      %eq3A_409 = vector.broadcast %eq3A_408 : i32 to vector<16xi32>
      %eq3A_410 = arith.cmpi eq, %add3A_356, %eq3A_409 : vector<16xi32>
      %jit3A_411 = arith.constant 0.000000e+00 : f32
      %broadcast_in_dim3A_412 = vector.broadcast %jit3A_411 : f32 to vector<16xf32>
      %select_n3A_413 = arith.select %eq3A_410, %select_n3A_379, %broadcast_in_dim3A_412 : vector<16xi1>, vector<16xf32>
      %add3A_414 = arith.addf %add3A_255, %select_n3A_413 : vector<16xf32>
      %eq3A_415 = arith.constant 5 : i32
      %eq3A_416 = vector.broadcast %eq3A_415 : i32 to vector<16xi32>
      %eq3A_417 = arith.cmpi eq, %add3A_356, %eq3A_416 : vector<16xi32>
      %jit3A_418 = arith.constant 0.000000e+00 : f32
      %broadcast_in_dim3A_419 = vector.broadcast %jit3A_418 : f32 to vector<16xf32>
      %select_n3A_420 = arith.select %eq3A_417, %select_n3A_379, %broadcast_in_dim3A_419 : vector<16xi1>, vector<16xf32>
      %add3A_421 = arith.addf %add3A_262, %select_n3A_420 : vector<16xf32>
      %eq3A_422 = arith.constant 6 : i32
      %eq3A_423 = vector.broadcast %eq3A_422 : i32 to vector<16xi32>
      %eq3A_424 = arith.cmpi eq, %add3A_356, %eq3A_423 : vector<16xi32>
      %jit3A_425 = arith.constant 0.000000e+00 : f32
      %broadcast_in_dim3A_426 = vector.broadcast %jit3A_425 : f32 to vector<16xf32>
      %select_n3A_427 = arith.select %eq3A_424, %select_n3A_379, %broadcast_in_dim3A_426 : vector<16xi1>, vector<16xf32>
      %add3A_428 = arith.addf %add3A_269, %select_n3A_427 : vector<16xf32>
      %eq3A_429 = arith.constant 7 : i32
      %eq3A_430 = vector.broadcast %eq3A_429 : i32 to vector<16xi32>
      %eq3A_431 = arith.cmpi eq, %add3A_356, %eq3A_430 : vector<16xi32>
      %jit3A_432 = arith.constant 0.000000e+00 : f32
      %broadcast_in_dim3A_433 = vector.broadcast %jit3A_432 : f32 to vector<16xf32>
      %select_n3A_434 = arith.select %eq3A_431, %select_n3A_379, %broadcast_in_dim3A_433 : vector<16xi1>, vector<16xf32>
      %add3A_435 = arith.addf %add3A_276, %select_n3A_434 : vector<16xf32>
      %broadcast_in_dim3A_436 = arith.constant 0.000000e+00 : f32
      %broadcast_in_dim3A_437 = vector.broadcast %broadcast_in_dim3A_436 : f32 to vector<16xf32>
      %broadcast_in_dim3A_438 = arith.constant 0 : i32
      %broadcast_in_dim3A_439 = vector.broadcast %broadcast_in_dim3A_438 : i32 to vector<16xi32>
      %ge3A_440 = arith.cmpf oge, %get3A_84, %get3A_94 : vector<16xf32>
      %jit3A_441 = arith.constant 0.000000e+00 : f32
      %broadcast_in_dim3A_442 = vector.broadcast %jit3A_441 : f32 to vector<16xf32>
      %select_n3A_443 = arith.select %ge3A_440, %get3A_84, %broadcast_in_dim3A_442 : vector<16xi1>, vector<16xf32>
      %add3A_444 = arith.addf %broadcast_in_dim3A_437, %select_n3A_443 : vector<16xf32>
      %jit3A_445 = arith.constant 1 : i32
      %jit3A_446 = arith.constant 0 : i32
      %broadcast_in_dim3A_447 = vector.broadcast %jit3A_445 : i32 to vector<16xi32>
      %broadcast_in_dim3A_448 = vector.broadcast %jit3A_446 : i32 to vector<16xi32>
      %select_n3A_449 = arith.select %ge3A_440, %broadcast_in_dim3A_447, %broadcast_in_dim3A_448 : vector<16xi1>, vector<16xi32>
      %add3A_450 = arith.addi %broadcast_in_dim3A_439, %select_n3A_449 : vector<16xi32>
      %ge3A_451 = arith.cmpf oge, %get3A_89, %get3A_94 : vector<16xf32>
      %jit3A_452 = arith.constant 0.000000e+00 : f32
      %broadcast_in_dim3A_453 = vector.broadcast %jit3A_452 : f32 to vector<16xf32>
      %select_n3A_454 = arith.select %ge3A_451, %get3A_89, %broadcast_in_dim3A_453 : vector<16xi1>, vector<16xf32>
      %add3A_455 = arith.addf %add3A_444, %select_n3A_454 : vector<16xf32>
      %jit3A_456 = arith.constant 1 : i32
      %jit3A_457 = arith.constant 0 : i32
      %broadcast_in_dim3A_458 = vector.broadcast %jit3A_456 : i32 to vector<16xi32>
      %broadcast_in_dim3A_459 = vector.broadcast %jit3A_457 : i32 to vector<16xi32>
      %select_n3A_460 = arith.select %ge3A_451, %broadcast_in_dim3A_458, %broadcast_in_dim3A_459 : vector<16xi1>, vector<16xi32>
      %add3A_461 = arith.addi %add3A_450, %select_n3A_460 : vector<16xi32>
      %gt3A_462 = arith.cmpf ogt, %get3A_99, %get3A_94 : vector<16xf32>
      %jit3A_463 = arith.constant 0.000000e+00 : f32
      %broadcast_in_dim3A_464 = vector.broadcast %jit3A_463 : f32 to vector<16xf32>
      %select_n3A_465 = arith.select %gt3A_462, %get3A_99, %broadcast_in_dim3A_464 : vector<16xi1>, vector<16xf32>
      %add3A_466 = arith.addf %add3A_455, %select_n3A_465 : vector<16xf32>
      %jit3A_467 = arith.constant 1 : i32
      %jit3A_468 = arith.constant 0 : i32
      %broadcast_in_dim3A_469 = vector.broadcast %jit3A_467 : i32 to vector<16xi32>
      %broadcast_in_dim3A_470 = vector.broadcast %jit3A_468 : i32 to vector<16xi32>
      %select_n3A_471 = arith.select %gt3A_462, %broadcast_in_dim3A_469, %broadcast_in_dim3A_470 : vector<16xi1>, vector<16xi32>
      %add3A_472 = arith.addi %add3A_461, %select_n3A_471 : vector<16xi32>
      %gt3A_473 = arith.cmpf ogt, %get3A_104, %get3A_94 : vector<16xf32>
      %jit3A_474 = arith.constant 0.000000e+00 : f32
      %broadcast_in_dim3A_475 = vector.broadcast %jit3A_474 : f32 to vector<16xf32>
      %select_n3A_476 = arith.select %gt3A_473, %get3A_104, %broadcast_in_dim3A_475 : vector<16xi1>, vector<16xf32>
      %add3A_477 = arith.addf %add3A_466, %select_n3A_476 : vector<16xf32>
      %jit3A_478 = arith.constant 1 : i32
      %jit3A_479 = arith.constant 0 : i32
      %broadcast_in_dim3A_480 = vector.broadcast %jit3A_478 : i32 to vector<16xi32>
      %broadcast_in_dim3A_481 = vector.broadcast %jit3A_479 : i32 to vector<16xi32>
      %select_n3A_482 = arith.select %gt3A_473, %broadcast_in_dim3A_480, %broadcast_in_dim3A_481 : vector<16xi1>, vector<16xi32>
      %add3A_483 = arith.addi %add3A_472, %select_n3A_482 : vector<16xi32>
      %gt3A_484 = arith.cmpf ogt, %get3A_109, %get3A_94 : vector<16xf32>
      %jit3A_485 = arith.constant 0.000000e+00 : f32
      %broadcast_in_dim3A_486 = vector.broadcast %jit3A_485 : f32 to vector<16xf32>
      %select_n3A_487 = arith.select %gt3A_484, %get3A_109, %broadcast_in_dim3A_486 : vector<16xi1>, vector<16xf32>
      %add3A_488 = arith.addf %add3A_477, %select_n3A_487 : vector<16xf32>
      %jit3A_489 = arith.constant 1 : i32
      %jit3A_490 = arith.constant 0 : i32
      %broadcast_in_dim3A_491 = vector.broadcast %jit3A_489 : i32 to vector<16xi32>
      %broadcast_in_dim3A_492 = vector.broadcast %jit3A_490 : i32 to vector<16xi32>
      %select_n3A_493 = arith.select %gt3A_484, %broadcast_in_dim3A_491, %broadcast_in_dim3A_492 : vector<16xi1>, vector<16xi32>
      %add3A_494 = arith.addi %add3A_483, %select_n3A_493 : vector<16xi32>
      %gt3A_495 = arith.cmpf ogt, %get3A_114, %get3A_94 : vector<16xf32>
      %jit3A_496 = arith.constant 0.000000e+00 : f32
      %broadcast_in_dim3A_497 = vector.broadcast %jit3A_496 : f32 to vector<16xf32>
      %select_n3A_498 = arith.select %gt3A_495, %get3A_114, %broadcast_in_dim3A_497 : vector<16xi1>, vector<16xf32>
      %add3A_499 = arith.addf %add3A_488, %select_n3A_498 : vector<16xf32>
      %jit3A_500 = arith.constant 1 : i32
      %jit3A_501 = arith.constant 0 : i32
      %broadcast_in_dim3A_502 = vector.broadcast %jit3A_500 : i32 to vector<16xi32>
      %broadcast_in_dim3A_503 = vector.broadcast %jit3A_501 : i32 to vector<16xi32>
      %select_n3A_504 = arith.select %gt3A_495, %broadcast_in_dim3A_502, %broadcast_in_dim3A_503 : vector<16xi1>, vector<16xi32>
      %add3A_505 = arith.addi %add3A_494, %select_n3A_504 : vector<16xi32>
      %gt3A_506 = arith.cmpf ogt, %get3A_119, %get3A_94 : vector<16xf32>
      %jit3A_507 = arith.constant 0.000000e+00 : f32
      %broadcast_in_dim3A_508 = vector.broadcast %jit3A_507 : f32 to vector<16xf32>
      %select_n3A_509 = arith.select %gt3A_506, %get3A_119, %broadcast_in_dim3A_508 : vector<16xi1>, vector<16xf32>
      %add3A_510 = arith.addf %add3A_499, %select_n3A_509 : vector<16xf32>
      %jit3A_511 = arith.constant 1 : i32
      %jit3A_512 = arith.constant 0 : i32
      %broadcast_in_dim3A_513 = vector.broadcast %jit3A_511 : i32 to vector<16xi32>
      %broadcast_in_dim3A_514 = vector.broadcast %jit3A_512 : i32 to vector<16xi32>
      %select_n3A_515 = arith.select %gt3A_506, %broadcast_in_dim3A_513, %broadcast_in_dim3A_514 : vector<16xi1>, vector<16xi32>
      %add3A_516 = arith.addi %add3A_505, %select_n3A_515 : vector<16xi32>
      %le3A_517 = arith.constant 0.699999988 : f32
      %le3A_518 = vector.broadcast %le3A_517 : f32 to vector<16xf32>
      %le3A_519 = arith.cmpf ole, %add3A_510, %le3A_518 : vector<16xf32>
      %jit3A_520 = arith.constant 1.000000e+00 : f32
      %jit3A_521 = arith.constant 0.000000e+00 : f32
      %broadcast_in_dim3A_522 = vector.broadcast %jit3A_520 : f32 to vector<16xf32>
      %broadcast_in_dim3A_523 = vector.broadcast %jit3A_521 : f32 to vector<16xf32>
      %select_n3A_524 = arith.select %le3A_519, %broadcast_in_dim3A_522, %broadcast_in_dim3A_523 : vector<16xi1>, vector<16xf32>
      %swap3A_525 = arith.constant 2 : i32
      %swap3A_526 = arith.index_cast %swap3A_525 : i32 to index
      %swap3A_527 = arith.index_cast %mul3A_80 : i32 to index
      %swap3A_528 = tpu.vector_load %arg7[%swap3A_526, %swap3A_527] {strides = array<i32>} : memref<8x256xf32, #tpu.memory_space<vmem>>, vector<1x16xf32>,
      %swap3A_529 = vector.shape_cast %swap3A_528 : vector<1x16xf32> to vector<16xf32>
      %swap3A_530 = vector.shape_cast %select_n3A_524 : vector<16xf32> to vector<1x16xf32>
      tpu.vector_store %arg7[%swap3A_526, %swap3A_527], %swap3A_530 {strides = array<i32>} : memref<8x256xf32, #tpu.memory_space<vmem>>, vector<1x16xf32>,
      %jit3A_531 = arith.constant 1 : i32
      %jit3A_532 = arith.constant 0 : i32
      %broadcast_in_dim3A_533 = vector.broadcast %jit3A_531 : i32 to vector<16xi32>
      %broadcast_in_dim3A_534 = vector.broadcast %jit3A_532 : i32 to vector<16xi32>
      %select_n3A_535 = arith.select %le3A_519, %broadcast_in_dim3A_533, %broadcast_in_dim3A_534 : vector<16xi1>, vector<16xi32>
      %add3A_536 = arith.addi %add3A_376, %select_n3A_535 : vector<16xi32>
      %jit3A_537 = arith.constant 0.000000e+00 : f32
      %broadcast_in_dim3A_538 = vector.broadcast %jit3A_537 : f32 to vector<16xf32>
      %select_n3A_539 = arith.select %le3A_519, %get3A_94, %broadcast_in_dim3A_538 : vector<16xi1>, vector<16xf32>
      %eq3A_540 = arith.constant 0 : i32
      %eq3A_541 = vector.broadcast %eq3A_540 : i32 to vector<16xi32>
      %eq3A_542 = arith.cmpi eq, %add3A_516, %eq3A_541 : vector<16xi32>
      %jit3A_543 = arith.constant 0.000000e+00 : f32
      %broadcast_in_dim3A_544 = vector.broadcast %jit3A_543 : f32 to vector<16xf32>
      %select_n3A_545 = arith.select %eq3A_542, %select_n3A_539, %broadcast_in_dim3A_544 : vector<16xi1>, vector<16xf32>
      %add3A_546 = arith.addf %add3A_386, %select_n3A_545 : vector<16xf32>
      %eq3A_547 = arith.constant 1 : i32
      %eq3A_548 = vector.broadcast %eq3A_547 : i32 to vector<16xi32>
      %eq3A_549 = arith.cmpi eq, %add3A_516, %eq3A_548 : vector<16xi32>
      %jit3A_550 = arith.constant 0.000000e+00 : f32
      %broadcast_in_dim3A_551 = vector.broadcast %jit3A_550 : f32 to vector<16xf32>
      %select_n3A_552 = arith.select %eq3A_549, %select_n3A_539, %broadcast_in_dim3A_551 : vector<16xi1>, vector<16xf32>
      %add3A_553 = arith.addf %add3A_393, %select_n3A_552 : vector<16xf32>
      %eq3A_554 = arith.constant 2 : i32
      %eq3A_555 = vector.broadcast %eq3A_554 : i32 to vector<16xi32>
      %eq3A_556 = arith.cmpi eq, %add3A_516, %eq3A_555 : vector<16xi32>
      %jit3A_557 = arith.constant 0.000000e+00 : f32
      %broadcast_in_dim3A_558 = vector.broadcast %jit3A_557 : f32 to vector<16xf32>
      %select_n3A_559 = arith.select %eq3A_556, %select_n3A_539, %broadcast_in_dim3A_558 : vector<16xi1>, vector<16xf32>
      %add3A_560 = arith.addf %add3A_400, %select_n3A_559 : vector<16xf32>
      %eq3A_561 = arith.constant 3 : i32
      %eq3A_562 = vector.broadcast %eq3A_561 : i32 to vector<16xi32>
      %eq3A_563 = arith.cmpi eq, %add3A_516, %eq3A_562 : vector<16xi32>
      %jit3A_564 = arith.constant 0.000000e+00 : f32
      %broadcast_in_dim3A_565 = vector.broadcast %jit3A_564 : f32 to vector<16xf32>
      %select_n3A_566 = arith.select %eq3A_563, %select_n3A_539, %broadcast_in_dim3A_565 : vector<16xi1>, vector<16xf32>
      %add3A_567 = arith.addf %add3A_407, %select_n3A_566 : vector<16xf32>
      %eq3A_568 = arith.constant 4 : i32
      %eq3A_569 = vector.broadcast %eq3A_568 : i32 to vector<16xi32>
      %eq3A_570 = arith.cmpi eq, %add3A_516, %eq3A_569 : vector<16xi32>
      %jit3A_571 = arith.constant 0.000000e+00 : f32
      %broadcast_in_dim3A_572 = vector.broadcast %jit3A_571 : f32 to vector<16xf32>
      %select_n3A_573 = arith.select %eq3A_570, %select_n3A_539, %broadcast_in_dim3A_572 : vector<16xi1>, vector<16xf32>
      %add3A_574 = arith.addf %add3A_414, %select_n3A_573 : vector<16xf32>
      %eq3A_575 = arith.constant 5 : i32
      %eq3A_576 = vector.broadcast %eq3A_575 : i32 to vector<16xi32>
      %eq3A_577 = arith.cmpi eq, %add3A_516, %eq3A_576 : vector<16xi32>
      %jit3A_578 = arith.constant 0.000000e+00 : f32
      %broadcast_in_dim3A_579 = vector.broadcast %jit3A_578 : f32 to vector<16xf32>
      %select_n3A_580 = arith.select %eq3A_577, %select_n3A_539, %broadcast_in_dim3A_579 : vector<16xi1>, vector<16xf32>
      %add3A_581 = arith.addf %add3A_421, %select_n3A_580 : vector<16xf32>
      %eq3A_582 = arith.constant 6 : i32
      %eq3A_583 = vector.broadcast %eq3A_582 : i32 to vector<16xi32>
      %eq3A_584 = arith.cmpi eq, %add3A_516, %eq3A_583 : vector<16xi32>
      %jit3A_585 = arith.constant 0.000000e+00 : f32
      %broadcast_in_dim3A_586 = vector.broadcast %jit3A_585 : f32 to vector<16xf32>
      %select_n3A_587 = arith.select %eq3A_584, %select_n3A_539, %broadcast_in_dim3A_586 : vector<16xi1>, vector<16xf32>
      %add3A_588 = arith.addf %add3A_428, %select_n3A_587 : vector<16xf32>
      %eq3A_589 = arith.constant 7 : i32
      %eq3A_590 = vector.broadcast %eq3A_589 : i32 to vector<16xi32>
      %eq3A_591 = arith.cmpi eq, %add3A_516, %eq3A_590 : vector<16xi32>
      %jit3A_592 = arith.constant 0.000000e+00 : f32
      %broadcast_in_dim3A_593 = vector.broadcast %jit3A_592 : f32 to vector<16xf32>
      %select_n3A_594 = arith.select %eq3A_591, %select_n3A_539, %broadcast_in_dim3A_593 : vector<16xi1>, vector<16xf32>
      %add3A_595 = arith.addf %add3A_435, %select_n3A_594 : vector<16xf32>
      %broadcast_in_dim3A_596 = arith.constant 0.000000e+00 : f32
      %broadcast_in_dim3A_597 = vector.broadcast %broadcast_in_dim3A_596 : f32 to vector<16xf32>
      %broadcast_in_dim3A_598 = arith.constant 0 : i32
      %broadcast_in_dim3A_599 = vector.broadcast %broadcast_in_dim3A_598 : i32 to vector<16xi32>
      %ge3A_600 = arith.cmpf oge, %get3A_84, %get3A_99 : vector<16xf32>
      %jit3A_601 = arith.constant 0.000000e+00 : f32
      %broadcast_in_dim3A_602 = vector.broadcast %jit3A_601 : f32 to vector<16xf32>
      %select_n3A_603 = arith.select %ge3A_600, %get3A_84, %broadcast_in_dim3A_602 : vector<16xi1>, vector<16xf32>
      %add3A_604 = arith.addf %broadcast_in_dim3A_597, %select_n3A_603 : vector<16xf32>
      %jit3A_605 = arith.constant 1 : i32
      %jit3A_606 = arith.constant 0 : i32
      %broadcast_in_dim3A_607 = vector.broadcast %jit3A_605 : i32 to vector<16xi32>
      %broadcast_in_dim3A_608 = vector.broadcast %jit3A_606 : i32 to vector<16xi32>
      %select_n3A_609 = arith.select %ge3A_600, %broadcast_in_dim3A_607, %broadcast_in_dim3A_608 : vector<16xi1>, vector<16xi32>
      %add3A_610 = arith.addi %broadcast_in_dim3A_599, %select_n3A_609 : vector<16xi32>
      %ge3A_611 = arith.cmpf oge, %get3A_89, %get3A_99 : vector<16xf32>
      %jit3A_612 = arith.constant 0.000000e+00 : f32
      %broadcast_in_dim3A_613 = vector.broadcast %jit3A_612 : f32 to vector<16xf32>
      %select_n3A_614 = arith.select %ge3A_611, %get3A_89, %broadcast_in_dim3A_613 : vector<16xi1>, vector<16xf32>
      %add3A_615 = arith.addf %add3A_604, %select_n3A_614 : vector<16xf32>
      %jit3A_616 = arith.constant 1 : i32
      %jit3A_617 = arith.constant 0 : i32
      %broadcast_in_dim3A_618 = vector.broadcast %jit3A_616 : i32 to vector<16xi32>
      %broadcast_in_dim3A_619 = vector.broadcast %jit3A_617 : i32 to vector<16xi32>
      %select_n3A_620 = arith.select %ge3A_611, %broadcast_in_dim3A_618, %broadcast_in_dim3A_619 : vector<16xi1>, vector<16xi32>
      %add3A_621 = arith.addi %add3A_610, %select_n3A_620 : vector<16xi32>
      %ge3A_622 = arith.cmpf oge, %get3A_94, %get3A_99 : vector<16xf32>
      %jit3A_623 = arith.constant 0.000000e+00 : f32
      %broadcast_in_dim3A_624 = vector.broadcast %jit3A_623 : f32 to vector<16xf32>
      %select_n3A_625 = arith.select %ge3A_622, %get3A_94, %broadcast_in_dim3A_624 : vector<16xi1>, vector<16xf32>
      %add3A_626 = arith.addf %add3A_615, %select_n3A_625 : vector<16xf32>
      %jit3A_627 = arith.constant 1 : i32
      %jit3A_628 = arith.constant 0 : i32
      %broadcast_in_dim3A_629 = vector.broadcast %jit3A_627 : i32 to vector<16xi32>
      %broadcast_in_dim3A_630 = vector.broadcast %jit3A_628 : i32 to vector<16xi32>
      %select_n3A_631 = arith.select %ge3A_622, %broadcast_in_dim3A_629, %broadcast_in_dim3A_630 : vector<16xi1>, vector<16xi32>
      %add3A_632 = arith.addi %add3A_621, %select_n3A_631 : vector<16xi32>
      %gt3A_633 = arith.cmpf ogt, %get3A_104, %get3A_99 : vector<16xf32>
      %jit3A_634 = arith.constant 0.000000e+00 : f32
      %broadcast_in_dim3A_635 = vector.broadcast %jit3A_634 : f32 to vector<16xf32>
      %select_n3A_636 = arith.select %gt3A_633, %get3A_104, %broadcast_in_dim3A_635 : vector<16xi1>, vector<16xf32>
      %add3A_637 = arith.addf %add3A_626, %select_n3A_636 : vector<16xf32>
      %jit3A_638 = arith.constant 1 : i32
      %jit3A_639 = arith.constant 0 : i32
      %broadcast_in_dim3A_640 = vector.broadcast %jit3A_638 : i32 to vector<16xi32>
      %broadcast_in_dim3A_641 = vector.broadcast %jit3A_639 : i32 to vector<16xi32>
      %select_n3A_642 = arith.select %gt3A_633, %broadcast_in_dim3A_640, %broadcast_in_dim3A_641 : vector<16xi1>, vector<16xi32>
      %add3A_643 = arith.addi %add3A_632, %select_n3A_642 : vector<16xi32>
      %gt3A_644 = arith.cmpf ogt, %get3A_109, %get3A_99 : vector<16xf32>
      %jit3A_645 = arith.constant 0.000000e+00 : f32
      %broadcast_in_dim3A_646 = vector.broadcast %jit3A_645 : f32 to vector<16xf32>
      %select_n3A_647 = arith.select %gt3A_644, %get3A_109, %broadcast_in_dim3A_646 : vector<16xi1>, vector<16xf32>
      %add3A_648 = arith.addf %add3A_637, %select_n3A_647 : vector<16xf32>
      %jit3A_649 = arith.constant 1 : i32
      %jit3A_650 = arith.constant 0 : i32
      %broadcast_in_dim3A_651 = vector.broadcast %jit3A_649 : i32 to vector<16xi32>
      %broadcast_in_dim3A_652 = vector.broadcast %jit3A_650 : i32 to vector<16xi32>
      %select_n3A_653 = arith.select %gt3A_644, %broadcast_in_dim3A_651, %broadcast_in_dim3A_652 : vector<16xi1>, vector<16xi32>
      %add3A_654 = arith.addi %add3A_643, %select_n3A_653 : vector<16xi32>
      %gt3A_655 = arith.cmpf ogt, %get3A_114, %get3A_99 : vector<16xf32>
      %jit3A_656 = arith.constant 0.000000e+00 : f32
      %broadcast_in_dim3A_657 = vector.broadcast %jit3A_656 : f32 to vector<16xf32>
      %select_n3A_658 = arith.select %gt3A_655, %get3A_114, %broadcast_in_dim3A_657 : vector<16xi1>, vector<16xf32>
      %add3A_659 = arith.addf %add3A_648, %select_n3A_658 : vector<16xf32>
      %jit3A_660 = arith.constant 1 : i32
      %jit3A_661 = arith.constant 0 : i32
      %broadcast_in_dim3A_662 = vector.broadcast %jit3A_660 : i32 to vector<16xi32>
      %broadcast_in_dim3A_663 = vector.broadcast %jit3A_661 : i32 to vector<16xi32>
      %select_n3A_664 = arith.select %gt3A_655, %broadcast_in_dim3A_662, %broadcast_in_dim3A_663 : vector<16xi1>, vector<16xi32>
      %add3A_665 = arith.addi %add3A_654, %select_n3A_664 : vector<16xi32>
      %gt3A_666 = arith.cmpf ogt, %get3A_119, %get3A_99 : vector<16xf32>
      %jit3A_667 = arith.constant 0.000000e+00 : f32
      %broadcast_in_dim3A_668 = vector.broadcast %jit3A_667 : f32 to vector<16xf32>
      %select_n3A_669 = arith.select %gt3A_666, %get3A_119, %broadcast_in_dim3A_668 : vector<16xi1>, vector<16xf32>
      %add3A_670 = arith.addf %add3A_659, %select_n3A_669 : vector<16xf32>
      %jit3A_671 = arith.constant 1 : i32
      %jit3A_672 = arith.constant 0 : i32
      %broadcast_in_dim3A_673 = vector.broadcast %jit3A_671 : i32 to vector<16xi32>
      %broadcast_in_dim3A_674 = vector.broadcast %jit3A_672 : i32 to vector<16xi32>
      %select_n3A_675 = arith.select %gt3A_666, %broadcast_in_dim3A_673, %broadcast_in_dim3A_674 : vector<16xi1>, vector<16xi32>
      %add3A_676 = arith.addi %add3A_665, %select_n3A_675 : vector<16xi32>
      %le3A_677 = arith.constant 0.699999988 : f32
      %le3A_678 = vector.broadcast %le3A_677 : f32 to vector<16xf32>
      %le3A_679 = arith.cmpf ole, %add3A_670, %le3A_678 : vector<16xf32>
      %jit3A_680 = arith.constant 1.000000e+00 : f32
      %jit3A_681 = arith.constant 0.000000e+00 : f32
      %broadcast_in_dim3A_682 = vector.broadcast %jit3A_680 : f32 to vector<16xf32>
      %broadcast_in_dim3A_683 = vector.broadcast %jit3A_681 : f32 to vector<16xf32>
      %select_n3A_684 = arith.select %le3A_679, %broadcast_in_dim3A_682, %broadcast_in_dim3A_683 : vector<16xi1>, vector<16xf32>
      %swap3A_685 = arith.constant 3 : i32
      %swap3A_686 = arith.index_cast %swap3A_685 : i32 to index
      %swap3A_687 = arith.index_cast %mul3A_80 : i32 to index
      %swap3A_688 = tpu.vector_load %arg7[%swap3A_686, %swap3A_687] {strides = array<i32>} : memref<8x256xf32, #tpu.memory_space<vmem>>, vector<1x16xf32>,
      %swap3A_689 = vector.shape_cast %swap3A_688 : vector<1x16xf32> to vector<16xf32>
      %swap3A_690 = vector.shape_cast %select_n3A_684 : vector<16xf32> to vector<1x16xf32>
      tpu.vector_store %arg7[%swap3A_686, %swap3A_687], %swap3A_690 {strides = array<i32>} : memref<8x256xf32, #tpu.memory_space<vmem>>, vector<1x16xf32>,
      %jit3A_691 = arith.constant 1 : i32
      %jit3A_692 = arith.constant 0 : i32
      %broadcast_in_dim3A_693 = vector.broadcast %jit3A_691 : i32 to vector<16xi32>
      %broadcast_in_dim3A_694 = vector.broadcast %jit3A_692 : i32 to vector<16xi32>
      %select_n3A_695 = arith.select %le3A_679, %broadcast_in_dim3A_693, %broadcast_in_dim3A_694 : vector<16xi1>, vector<16xi32>
      %add3A_696 = arith.addi %add3A_536, %select_n3A_695 : vector<16xi32>
      %jit3A_697 = arith.constant 0.000000e+00 : f32
      %broadcast_in_dim3A_698 = vector.broadcast %jit3A_697 : f32 to vector<16xf32>
      %select_n3A_699 = arith.select %le3A_679, %get3A_99, %broadcast_in_dim3A_698 : vector<16xi1>, vector<16xf32>
      %eq3A_700 = arith.constant 0 : i32
      %eq3A_701 = vector.broadcast %eq3A_700 : i32 to vector<16xi32>
      %eq3A_702 = arith.cmpi eq, %add3A_676, %eq3A_701 : vector<16xi32>
      %jit3A_703 = arith.constant 0.000000e+00 : f32
      %broadcast_in_dim3A_704 = vector.broadcast %jit3A_703 : f32 to vector<16xf32>
      %select_n3A_705 = arith.select %eq3A_702, %select_n3A_699, %broadcast_in_dim3A_704 : vector<16xi1>, vector<16xf32>
      %add3A_706 = arith.addf %add3A_546, %select_n3A_705 : vector<16xf32>
      %eq3A_707 = arith.constant 1 : i32
      %eq3A_708 = vector.broadcast %eq3A_707 : i32 to vector<16xi32>
      %eq3A_709 = arith.cmpi eq, %add3A_676, %eq3A_708 : vector<16xi32>
      %jit3A_710 = arith.constant 0.000000e+00 : f32
      %broadcast_in_dim3A_711 = vector.broadcast %jit3A_710 : f32 to vector<16xf32>
      %select_n3A_712 = arith.select %eq3A_709, %select_n3A_699, %broadcast_in_dim3A_711 : vector<16xi1>, vector<16xf32>
      %add3A_713 = arith.addf %add3A_553, %select_n3A_712 : vector<16xf32>
      %eq3A_714 = arith.constant 2 : i32
      %eq3A_715 = vector.broadcast %eq3A_714 : i32 to vector<16xi32>
      %eq3A_716 = arith.cmpi eq, %add3A_676, %eq3A_715 : vector<16xi32>
      %jit3A_717 = arith.constant 0.000000e+00 : f32
      %broadcast_in_dim3A_718 = vector.broadcast %jit3A_717 : f32 to vector<16xf32>
      %select_n3A_719 = arith.select %eq3A_716, %select_n3A_699, %broadcast_in_dim3A_718 : vector<16xi1>, vector<16xf32>
      %add3A_720 = arith.addf %add3A_560, %select_n3A_719 : vector<16xf32>
      %eq3A_721 = arith.constant 3 : i32
      %eq3A_722 = vector.broadcast %eq3A_721 : i32 to vector<16xi32>
      %eq3A_723 = arith.cmpi eq, %add3A_676, %eq3A_722 : vector<16xi32>
      %jit3A_724 = arith.constant 0.000000e+00 : f32
      %broadcast_in_dim3A_725 = vector.broadcast %jit3A_724 : f32 to vector<16xf32>
      %select_n3A_726 = arith.select %eq3A_723, %select_n3A_699, %broadcast_in_dim3A_725 : vector<16xi1>, vector<16xf32>
      %add3A_727 = arith.addf %add3A_567, %select_n3A_726 : vector<16xf32>
      %eq3A_728 = arith.constant 4 : i32
      %eq3A_729 = vector.broadcast %eq3A_728 : i32 to vector<16xi32>
      %eq3A_730 = arith.cmpi eq, %add3A_676, %eq3A_729 : vector<16xi32>
      %jit3A_731 = arith.constant 0.000000e+00 : f32
      %broadcast_in_dim3A_732 = vector.broadcast %jit3A_731 : f32 to vector<16xf32>
      %select_n3A_733 = arith.select %eq3A_730, %select_n3A_699, %broadcast_in_dim3A_732 : vector<16xi1>, vector<16xf32>
      %add3A_734 = arith.addf %add3A_574, %select_n3A_733 : vector<16xf32>
      %eq3A_735 = arith.constant 5 : i32
      %eq3A_736 = vector.broadcast %eq3A_735 : i32 to vector<16xi32>
      %eq3A_737 = arith.cmpi eq, %add3A_676, %eq3A_736 : vector<16xi32>
      %jit3A_738 = arith.constant 0.000000e+00 : f32
      %broadcast_in_dim3A_739 = vector.broadcast %jit3A_738 : f32 to vector<16xf32>
      %select_n3A_740 = arith.select %eq3A_737, %select_n3A_699, %broadcast_in_dim3A_739 : vector<16xi1>, vector<16xf32>
      %add3A_741 = arith.addf %add3A_581, %select_n3A_740 : vector<16xf32>
      %eq3A_742 = arith.constant 6 : i32
      %eq3A_743 = vector.broadcast %eq3A_742 : i32 to vector<16xi32>
      %eq3A_744 = arith.cmpi eq, %add3A_676, %eq3A_743 : vector<16xi32>
      %jit3A_745 = arith.constant 0.000000e+00 : f32
      %broadcast_in_dim3A_746 = vector.broadcast %jit3A_745 : f32 to vector<16xf32>
      %select_n3A_747 = arith.select %eq3A_744, %select_n3A_699, %broadcast_in_dim3A_746 : vector<16xi1>, vector<16xf32>
      %add3A_748 = arith.addf %add3A_588, %select_n3A_747 : vector<16xf32>
      %eq3A_749 = arith.constant 7 : i32
      %eq3A_750 = vector.broadcast %eq3A_749 : i32 to vector<16xi32>
      %eq3A_751 = arith.cmpi eq, %add3A_676, %eq3A_750 : vector<16xi32>
      %jit3A_752 = arith.constant 0.000000e+00 : f32
      %broadcast_in_dim3A_753 = vector.broadcast %jit3A_752 : f32 to vector<16xf32>
      %select_n3A_754 = arith.select %eq3A_751, %select_n3A_699, %broadcast_in_dim3A_753 : vector<16xi1>, vector<16xf32>
      %add3A_755 = arith.addf %add3A_595, %select_n3A_754 : vector<16xf32>
      %broadcast_in_dim3A_756 = arith.constant 0.000000e+00 : f32
      %broadcast_in_dim3A_757 = vector.broadcast %broadcast_in_dim3A_756 : f32 to vector<16xf32>
      %broadcast_in_dim3A_758 = arith.constant 0 : i32
      %broadcast_in_dim3A_759 = vector.broadcast %broadcast_in_dim3A_758 : i32 to vector<16xi32>
      %ge3A_760 = arith.cmpf oge, %get3A_84, %get3A_104 : vector<16xf32>
      %jit3A_761 = arith.constant 0.000000e+00 : f32
      %broadcast_in_dim3A_762 = vector.broadcast %jit3A_761 : f32 to vector<16xf32>
      %select_n3A_763 = arith.select %ge3A_760, %get3A_84, %broadcast_in_dim3A_762 : vector<16xi1>, vector<16xf32>
      %add3A_764 = arith.addf %broadcast_in_dim3A_757, %select_n3A_763 : vector<16xf32>
      %jit3A_765 = arith.constant 1 : i32
      %jit3A_766 = arith.constant 0 : i32
      %broadcast_in_dim3A_767 = vector.broadcast %jit3A_765 : i32 to vector<16xi32>
      %broadcast_in_dim3A_768 = vector.broadcast %jit3A_766 : i32 to vector<16xi32>
      %select_n3A_769 = arith.select %ge3A_760, %broadcast_in_dim3A_767, %broadcast_in_dim3A_768 : vector<16xi1>, vector<16xi32>
      %add3A_770 = arith.addi %broadcast_in_dim3A_759, %select_n3A_769 : vector<16xi32>
      %ge3A_771 = arith.cmpf oge, %get3A_89, %get3A_104 : vector<16xf32>
      %jit3A_772 = arith.constant 0.000000e+00 : f32
      %broadcast_in_dim3A_773 = vector.broadcast %jit3A_772 : f32 to vector<16xf32>
      %select_n3A_774 = arith.select %ge3A_771, %get3A_89, %broadcast_in_dim3A_773 : vector<16xi1>, vector<16xf32>
      %add3A_775 = arith.addf %add3A_764, %select_n3A_774 : vector<16xf32>
      %jit3A_776 = arith.constant 1 : i32
      %jit3A_777 = arith.constant 0 : i32
      %broadcast_in_dim3A_778 = vector.broadcast %jit3A_776 : i32 to vector<16xi32>
      %broadcast_in_dim3A_779 = vector.broadcast %jit3A_777 : i32 to vector<16xi32>
      %select_n3A_780 = arith.select %ge3A_771, %broadcast_in_dim3A_778, %broadcast_in_dim3A_779 : vector<16xi1>, vector<16xi32>
      %add3A_781 = arith.addi %add3A_770, %select_n3A_780 : vector<16xi32>
      %ge3A_782 = arith.cmpf oge, %get3A_94, %get3A_104 : vector<16xf32>
      %jit3A_783 = arith.constant 0.000000e+00 : f32
      %broadcast_in_dim3A_784 = vector.broadcast %jit3A_783 : f32 to vector<16xf32>
      %select_n3A_785 = arith.select %ge3A_782, %get3A_94, %broadcast_in_dim3A_784 : vector<16xi1>, vector<16xf32>
      %add3A_786 = arith.addf %add3A_775, %select_n3A_785 : vector<16xf32>
      %jit3A_787 = arith.constant 1 : i32
      %jit3A_788 = arith.constant 0 : i32
      %broadcast_in_dim3A_789 = vector.broadcast %jit3A_787 : i32 to vector<16xi32>
      %broadcast_in_dim3A_790 = vector.broadcast %jit3A_788 : i32 to vector<16xi32>
      %select_n3A_791 = arith.select %ge3A_782, %broadcast_in_dim3A_789, %broadcast_in_dim3A_790 : vector<16xi1>, vector<16xi32>
      %add3A_792 = arith.addi %add3A_781, %select_n3A_791 : vector<16xi32>
      %ge3A_793 = arith.cmpf oge, %get3A_99, %get3A_104 : vector<16xf32>
      %jit3A_794 = arith.constant 0.000000e+00 : f32
      %broadcast_in_dim3A_795 = vector.broadcast %jit3A_794 : f32 to vector<16xf32>
      %select_n3A_796 = arith.select %ge3A_793, %get3A_99, %broadcast_in_dim3A_795 : vector<16xi1>, vector<16xf32>
      %add3A_797 = arith.addf %add3A_786, %select_n3A_796 : vector<16xf32>
      %jit3A_798 = arith.constant 1 : i32
      %jit3A_799 = arith.constant 0 : i32
      %broadcast_in_dim3A_800 = vector.broadcast %jit3A_798 : i32 to vector<16xi32>
      %broadcast_in_dim3A_801 = vector.broadcast %jit3A_799 : i32 to vector<16xi32>
      %select_n3A_802 = arith.select %ge3A_793, %broadcast_in_dim3A_800, %broadcast_in_dim3A_801 : vector<16xi1>, vector<16xi32>
      %add3A_803 = arith.addi %add3A_792, %select_n3A_802 : vector<16xi32>
      %gt3A_804 = arith.cmpf ogt, %get3A_109, %get3A_104 : vector<16xf32>
      %jit3A_805 = arith.constant 0.000000e+00 : f32
      %broadcast_in_dim3A_806 = vector.broadcast %jit3A_805 : f32 to vector<16xf32>
      %select_n3A_807 = arith.select %gt3A_804, %get3A_109, %broadcast_in_dim3A_806 : vector<16xi1>, vector<16xf32>
      %add3A_808 = arith.addf %add3A_797, %select_n3A_807 : vector<16xf32>
      %jit3A_809 = arith.constant 1 : i32
      %jit3A_810 = arith.constant 0 : i32
      %broadcast_in_dim3A_811 = vector.broadcast %jit3A_809 : i32 to vector<16xi32>
      %broadcast_in_dim3A_812 = vector.broadcast %jit3A_810 : i32 to vector<16xi32>
      %select_n3A_813 = arith.select %gt3A_804, %broadcast_in_dim3A_811, %broadcast_in_dim3A_812 : vector<16xi1>, vector<16xi32>
      %add3A_814 = arith.addi %add3A_803, %select_n3A_813 : vector<16xi32>
      %gt3A_815 = arith.cmpf ogt, %get3A_114, %get3A_104 : vector<16xf32>
      %jit3A_816 = arith.constant 0.000000e+00 : f32
      %broadcast_in_dim3A_817 = vector.broadcast %jit3A_816 : f32 to vector<16xf32>
      %select_n3A_818 = arith.select %gt3A_815, %get3A_114, %broadcast_in_dim3A_817 : vector<16xi1>, vector<16xf32>
      %add3A_819 = arith.addf %add3A_808, %select_n3A_818 : vector<16xf32>
      %jit3A_820 = arith.constant 1 : i32
      %jit3A_821 = arith.constant 0 : i32
      %broadcast_in_dim3A_822 = vector.broadcast %jit3A_820 : i32 to vector<16xi32>
      %broadcast_in_dim3A_823 = vector.broadcast %jit3A_821 : i32 to vector<16xi32>
      %select_n3A_824 = arith.select %gt3A_815, %broadcast_in_dim3A_822, %broadcast_in_dim3A_823 : vector<16xi1>, vector<16xi32>
      %add3A_825 = arith.addi %add3A_814, %select_n3A_824 : vector<16xi32>
      %gt3A_826 = arith.cmpf ogt, %get3A_119, %get3A_104 : vector<16xf32>
      %jit3A_827 = arith.constant 0.000000e+00 : f32
      %broadcast_in_dim3A_828 = vector.broadcast %jit3A_827 : f32 to vector<16xf32>
      %select_n3A_829 = arith.select %gt3A_826, %get3A_119, %broadcast_in_dim3A_828 : vector<16xi1>, vector<16xf32>
      %add3A_830 = arith.addf %add3A_819, %select_n3A_829 : vector<16xf32>
      %jit3A_831 = arith.constant 1 : i32
      %jit3A_832 = arith.constant 0 : i32
      %broadcast_in_dim3A_833 = vector.broadcast %jit3A_831 : i32 to vector<16xi32>
      %broadcast_in_dim3A_834 = vector.broadcast %jit3A_832 : i32 to vector<16xi32>
      %select_n3A_835 = arith.select %gt3A_826, %broadcast_in_dim3A_833, %broadcast_in_dim3A_834 : vector<16xi1>, vector<16xi32>
      %add3A_836 = arith.addi %add3A_825, %select_n3A_835 : vector<16xi32>
      %le3A_837 = arith.constant 0.699999988 : f32
      %le3A_838 = vector.broadcast %le3A_837 : f32 to vector<16xf32>
      %le3A_839 = arith.cmpf ole, %add3A_830, %le3A_838 : vector<16xf32>
      %jit3A_840 = arith.constant 1.000000e+00 : f32
      %jit3A_841 = arith.constant 0.000000e+00 : f32
      %broadcast_in_dim3A_842 = vector.broadcast %jit3A_840 : f32 to vector<16xf32>
      %broadcast_in_dim3A_843 = vector.broadcast %jit3A_841 : f32 to vector<16xf32>
      %select_n3A_844 = arith.select %le3A_839, %broadcast_in_dim3A_842, %broadcast_in_dim3A_843 : vector<16xi1>, vector<16xf32>
      %swap3A_845 = arith.constant 4 : i32
      %swap3A_846 = arith.index_cast %swap3A_845 : i32 to index
      %swap3A_847 = arith.index_cast %mul3A_80 : i32 to index
      %swap3A_848 = tpu.vector_load %arg7[%swap3A_846, %swap3A_847] {strides = array<i32>} : memref<8x256xf32, #tpu.memory_space<vmem>>, vector<1x16xf32>,
      %swap3A_849 = vector.shape_cast %swap3A_848 : vector<1x16xf32> to vector<16xf32>
      %swap3A_850 = vector.shape_cast %select_n3A_844 : vector<16xf32> to vector<1x16xf32>
      tpu.vector_store %arg7[%swap3A_846, %swap3A_847], %swap3A_850 {strides = array<i32>} : memref<8x256xf32, #tpu.memory_space<vmem>>, vector<1x16xf32>,
      %jit3A_851 = arith.constant 1 : i32
      %jit3A_852 = arith.constant 0 : i32
      %broadcast_in_dim3A_853 = vector.broadcast %jit3A_851 : i32 to vector<16xi32>
      %broadcast_in_dim3A_854 = vector.broadcast %jit3A_852 : i32 to vector<16xi32>
      %select_n3A_855 = arith.select %le3A_839, %broadcast_in_dim3A_853, %broadcast_in_dim3A_854 : vector<16xi1>, vector<16xi32>
      %add3A_856 = arith.addi %add3A_696, %select_n3A_855 : vector<16xi32>
      %jit3A_857 = arith.constant 0.000000e+00 : f32
      %broadcast_in_dim3A_858 = vector.broadcast %jit3A_857 : f32 to vector<16xf32>
      %select_n3A_859 = arith.select %le3A_839, %get3A_104, %broadcast_in_dim3A_858 : vector<16xi1>, vector<16xf32>
      %eq3A_860 = arith.constant 0 : i32
      %eq3A_861 = vector.broadcast %eq3A_860 : i32 to vector<16xi32>
      %eq3A_862 = arith.cmpi eq, %add3A_836, %eq3A_861 : vector<16xi32>
      %jit3A_863 = arith.constant 0.000000e+00 : f32
      %broadcast_in_dim3A_864 = vector.broadcast %jit3A_863 : f32 to vector<16xf32>
      %select_n3A_865 = arith.select %eq3A_862, %select_n3A_859, %broadcast_in_dim3A_864 : vector<16xi1>, vector<16xf32>
      %add3A_866 = arith.addf %add3A_706, %select_n3A_865 : vector<16xf32>
      %eq3A_867 = arith.constant 1 : i32
      %eq3A_868 = vector.broadcast %eq3A_867 : i32 to vector<16xi32>
      %eq3A_869 = arith.cmpi eq, %add3A_836, %eq3A_868 : vector<16xi32>
      %jit3A_870 = arith.constant 0.000000e+00 : f32
      %broadcast_in_dim3A_871 = vector.broadcast %jit3A_870 : f32 to vector<16xf32>
      %select_n3A_872 = arith.select %eq3A_869, %select_n3A_859, %broadcast_in_dim3A_871 : vector<16xi1>, vector<16xf32>
      %add3A_873 = arith.addf %add3A_713, %select_n3A_872 : vector<16xf32>
      %eq3A_874 = arith.constant 2 : i32
      %eq3A_875 = vector.broadcast %eq3A_874 : i32 to vector<16xi32>
      %eq3A_876 = arith.cmpi eq, %add3A_836, %eq3A_875 : vector<16xi32>
      %jit3A_877 = arith.constant 0.000000e+00 : f32
      %broadcast_in_dim3A_878 = vector.broadcast %jit3A_877 : f32 to vector<16xf32>
      %select_n3A_879 = arith.select %eq3A_876, %select_n3A_859, %broadcast_in_dim3A_878 : vector<16xi1>, vector<16xf32>
      %add3A_880 = arith.addf %add3A_720, %select_n3A_879 : vector<16xf32>
      %eq3A_881 = arith.constant 3 : i32
      %eq3A_882 = vector.broadcast %eq3A_881 : i32 to vector<16xi32>
      %eq3A_883 = arith.cmpi eq, %add3A_836, %eq3A_882 : vector<16xi32>
      %jit3A_884 = arith.constant 0.000000e+00 : f32
      %broadcast_in_dim3A_885 = vector.broadcast %jit3A_884 : f32 to vector<16xf32>
      %select_n3A_886 = arith.select %eq3A_883, %select_n3A_859, %broadcast_in_dim3A_885 : vector<16xi1>, vector<16xf32>
      %add3A_887 = arith.addf %add3A_727, %select_n3A_886 : vector<16xf32>
      %eq3A_888 = arith.constant 4 : i32
      %eq3A_889 = vector.broadcast %eq3A_888 : i32 to vector<16xi32>
      %eq3A_890 = arith.cmpi eq, %add3A_836, %eq3A_889 : vector<16xi32>
      %jit3A_891 = arith.constant 0.000000e+00 : f32
      %broadcast_in_dim3A_892 = vector.broadcast %jit3A_891 : f32 to vector<16xf32>
      %select_n3A_893 = arith.select %eq3A_890, %select_n3A_859, %broadcast_in_dim3A_892 : vector<16xi1>, vector<16xf32>
      %add3A_894 = arith.addf %add3A_734, %select_n3A_893 : vector<16xf32>
      %eq3A_895 = arith.constant 5 : i32
      %eq3A_896 = vector.broadcast %eq3A_895 : i32 to vector<16xi32>
      %eq3A_897 = arith.cmpi eq, %add3A_836, %eq3A_896 : vector<16xi32>
      %jit3A_898 = arith.constant 0.000000e+00 : f32
      %broadcast_in_dim3A_899 = vector.broadcast %jit3A_898 : f32 to vector<16xf32>
      %select_n3A_900 = arith.select %eq3A_897, %select_n3A_859, %broadcast_in_dim3A_899 : vector<16xi1>, vector<16xf32>
      %add3A_901 = arith.addf %add3A_741, %select_n3A_900 : vector<16xf32>
      %eq3A_902 = arith.constant 6 : i32
      %eq3A_903 = vector.broadcast %eq3A_902 : i32 to vector<16xi32>
      %eq3A_904 = arith.cmpi eq, %add3A_836, %eq3A_903 : vector<16xi32>
      %jit3A_905 = arith.constant 0.000000e+00 : f32
      %broadcast_in_dim3A_906 = vector.broadcast %jit3A_905 : f32 to vector<16xf32>
      %select_n3A_907 = arith.select %eq3A_904, %select_n3A_859, %broadcast_in_dim3A_906 : vector<16xi1>, vector<16xf32>
      %add3A_908 = arith.addf %add3A_748, %select_n3A_907 : vector<16xf32>
      %eq3A_909 = arith.constant 7 : i32
      %eq3A_910 = vector.broadcast %eq3A_909 : i32 to vector<16xi32>
      %eq3A_911 = arith.cmpi eq, %add3A_836, %eq3A_910 : vector<16xi32>
      %jit3A_912 = arith.constant 0.000000e+00 : f32
      %broadcast_in_dim3A_913 = vector.broadcast %jit3A_912 : f32 to vector<16xf32>
      %select_n3A_914 = arith.select %eq3A_911, %select_n3A_859, %broadcast_in_dim3A_913 : vector<16xi1>, vector<16xf32>
      %add3A_915 = arith.addf %add3A_755, %select_n3A_914 : vector<16xf32>
      %broadcast_in_dim3A_916 = arith.constant 0.000000e+00 : f32
      %broadcast_in_dim3A_917 = vector.broadcast %broadcast_in_dim3A_916 : f32 to vector<16xf32>
      %broadcast_in_dim3A_918 = arith.constant 0 : i32
      %broadcast_in_dim3A_919 = vector.broadcast %broadcast_in_dim3A_918 : i32 to vector<16xi32>
      %ge3A_920 = arith.cmpf oge, %get3A_84, %get3A_109 : vector<16xf32>
      %jit3A_921 = arith.constant 0.000000e+00 : f32
      %broadcast_in_dim3A_922 = vector.broadcast %jit3A_921 : f32 to vector<16xf32>
      %select_n3A_923 = arith.select %ge3A_920, %get3A_84, %broadcast_in_dim3A_922 : vector<16xi1>, vector<16xf32>
      %add3A_924 = arith.addf %broadcast_in_dim3A_917, %select_n3A_923 : vector<16xf32>
      %jit3A_925 = arith.constant 1 : i32
      %jit3A_926 = arith.constant 0 : i32
      %broadcast_in_dim3A_927 = vector.broadcast %jit3A_925 : i32 to vector<16xi32>
      %broadcast_in_dim3A_928 = vector.broadcast %jit3A_926 : i32 to vector<16xi32>
      %select_n3A_929 = arith.select %ge3A_920, %broadcast_in_dim3A_927, %broadcast_in_dim3A_928 : vector<16xi1>, vector<16xi32>
      %add3A_930 = arith.addi %broadcast_in_dim3A_919, %select_n3A_929 : vector<16xi32>
      %ge3A_931 = arith.cmpf oge, %get3A_89, %get3A_109 : vector<16xf32>
      %jit3A_932 = arith.constant 0.000000e+00 : f32
      %broadcast_in_dim3A_933 = vector.broadcast %jit3A_932 : f32 to vector<16xf32>
      %select_n3A_934 = arith.select %ge3A_931, %get3A_89, %broadcast_in_dim3A_933 : vector<16xi1>, vector<16xf32>
      %add3A_935 = arith.addf %add3A_924, %select_n3A_934 : vector<16xf32>
      %jit3A_936 = arith.constant 1 : i32
      %jit3A_937 = arith.constant 0 : i32
      %broadcast_in_dim3A_938 = vector.broadcast %jit3A_936 : i32 to vector<16xi32>
      %broadcast_in_dim3A_939 = vector.broadcast %jit3A_937 : i32 to vector<16xi32>
      %select_n3A_940 = arith.select %ge3A_931, %broadcast_in_dim3A_938, %broadcast_in_dim3A_939 : vector<16xi1>, vector<16xi32>
      %add3A_941 = arith.addi %add3A_930, %select_n3A_940 : vector<16xi32>
      %ge3A_942 = arith.cmpf oge, %get3A_94, %get3A_109 : vector<16xf32>
      %jit3A_943 = arith.constant 0.000000e+00 : f32
      %broadcast_in_dim3A_944 = vector.broadcast %jit3A_943 : f32 to vector<16xf32>
      %select_n3A_945 = arith.select %ge3A_942, %get3A_94, %broadcast_in_dim3A_944 : vector<16xi1>, vector<16xf32>
      %add3A_946 = arith.addf %add3A_935, %select_n3A_945 : vector<16xf32>
      %jit3A_947 = arith.constant 1 : i32
      %jit3A_948 = arith.constant 0 : i32
      %broadcast_in_dim3A_949 = vector.broadcast %jit3A_947 : i32 to vector<16xi32>
      %broadcast_in_dim3A_950 = vector.broadcast %jit3A_948 : i32 to vector<16xi32>
      %select_n3A_951 = arith.select %ge3A_942, %broadcast_in_dim3A_949, %broadcast_in_dim3A_950 : vector<16xi1>, vector<16xi32>
      %add3A_952 = arith.addi %add3A_941, %select_n3A_951 : vector<16xi32>
      %ge3A_953 = arith.cmpf oge, %get3A_99, %get3A_109 : vector<16xf32>
      %jit3A_954 = arith.constant 0.000000e+00 : f32
      %broadcast_in_dim3A_955 = vector.broadcast %jit3A_954 : f32 to vector<16xf32>
      %select_n3A_956 = arith.select %ge3A_953, %get3A_99, %broadcast_in_dim3A_955 : vector<16xi1>, vector<16xf32>
      %add3A_957 = arith.addf %add3A_946, %select_n3A_956 : vector<16xf32>
      %jit3A_958 = arith.constant 1 : i32
      %jit3A_959 = arith.constant 0 : i32
      %broadcast_in_dim3A_960 = vector.broadcast %jit3A_958 : i32 to vector<16xi32>
      %broadcast_in_dim3A_961 = vector.broadcast %jit3A_959 : i32 to vector<16xi32>
      %select_n3A_962 = arith.select %ge3A_953, %broadcast_in_dim3A_960, %broadcast_in_dim3A_961 : vector<16xi1>, vector<16xi32>
      %add3A_963 = arith.addi %add3A_952, %select_n3A_962 : vector<16xi32>
      %ge3A_964 = arith.cmpf oge, %get3A_104, %get3A_109 : vector<16xf32>
      %jit3A_965 = arith.constant 0.000000e+00 : f32
      %broadcast_in_dim3A_966 = vector.broadcast %jit3A_965 : f32 to vector<16xf32>
      %select_n3A_967 = arith.select %ge3A_964, %get3A_104, %broadcast_in_dim3A_966 : vector<16xi1>, vector<16xf32>
      %add3A_968 = arith.addf %add3A_957, %select_n3A_967 : vector<16xf32>
      %jit3A_969 = arith.constant 1 : i32
      %jit3A_970 = arith.constant 0 : i32
      %broadcast_in_dim3A_971 = vector.broadcast %jit3A_969 : i32 to vector<16xi32>
      %broadcast_in_dim3A_972 = vector.broadcast %jit3A_970 : i32 to vector<16xi32>
      %select_n3A_973 = arith.select %ge3A_964, %broadcast_in_dim3A_971, %broadcast_in_dim3A_972 : vector<16xi1>, vector<16xi32>
      %add3A_974 = arith.addi %add3A_963, %select_n3A_973 : vector<16xi32>
      %gt3A_975 = arith.cmpf ogt, %get3A_114, %get3A_109 : vector<16xf32>
      %jit3A_976 = arith.constant 0.000000e+00 : f32
      %broadcast_in_dim3A_977 = vector.broadcast %jit3A_976 : f32 to vector<16xf32>
      %select_n3A_978 = arith.select %gt3A_975, %get3A_114, %broadcast_in_dim3A_977 : vector<16xi1>, vector<16xf32>
      %add3A_979 = arith.addf %add3A_968, %select_n3A_978 : vector<16xf32>
      %jit3A_980 = arith.constant 1 : i32
      %jit3A_981 = arith.constant 0 : i32
      %broadcast_in_dim3A_982 = vector.broadcast %jit3A_980 : i32 to vector<16xi32>
      %broadcast_in_dim3A_983 = vector.broadcast %jit3A_981 : i32 to vector<16xi32>
      %select_n3A_984 = arith.select %gt3A_975, %broadcast_in_dim3A_982, %broadcast_in_dim3A_983 : vector<16xi1>, vector<16xi32>
      %add3A_985 = arith.addi %add3A_974, %select_n3A_984 : vector<16xi32>
      %gt3A_986 = arith.cmpf ogt, %get3A_119, %get3A_109 : vector<16xf32>
      %jit3A_987 = arith.constant 0.000000e+00 : f32
      %broadcast_in_dim3A_988 = vector.broadcast %jit3A_987 : f32 to vector<16xf32>
      %select_n3A_989 = arith.select %gt3A_986, %get3A_119, %broadcast_in_dim3A_988 : vector<16xi1>, vector<16xf32>
      %add3A_990 = arith.addf %add3A_979, %select_n3A_989 : vector<16xf32>
      %jit3A_991 = arith.constant 1 : i32
      %jit3A_992 = arith.constant 0 : i32
      %broadcast_in_dim3A_993 = vector.broadcast %jit3A_991 : i32 to vector<16xi32>
      %broadcast_in_dim3A_994 = vector.broadcast %jit3A_992 : i32 to vector<16xi32>
      %select_n3A_995 = arith.select %gt3A_986, %broadcast_in_dim3A_993, %broadcast_in_dim3A_994 : vector<16xi1>, vector<16xi32>
      %add3A_996 = arith.addi %add3A_985, %select_n3A_995 : vector<16xi32>
      %le3A_997 = arith.constant 0.699999988 : f32
      %le3A_998 = vector.broadcast %le3A_997 : f32 to vector<16xf32>
      %le3A_999 = arith.cmpf ole, %add3A_990, %le3A_998 : vector<16xf32>
      %jit3A_1000 = arith.constant 1.000000e+00 : f32
      %jit3A_1001 = arith.constant 0.000000e+00 : f32
      %broadcast_in_dim3A_1002 = vector.broadcast %jit3A_1000 : f32 to vector<16xf32>
      %broadcast_in_dim3A_1003 = vector.broadcast %jit3A_1001 : f32 to vector<16xf32>
      %select_n3A_1004 = arith.select %le3A_999, %broadcast_in_dim3A_1002, %broadcast_in_dim3A_1003 : vector<16xi1>, vector<16xf32>
      %swap3A_1005 = arith.constant 5 : i32
      %swap3A_1006 = arith.index_cast %swap3A_1005 : i32 to index
      %swap3A_1007 = arith.index_cast %mul3A_80 : i32 to index
      %swap3A_1008 = tpu.vector_load %arg7[%swap3A_1006, %swap3A_1007] {strides = array<i32>} : memref<8x256xf32, #tpu.memory_space<vmem>>, vector<1x16xf32>,
      %swap3A_1009 = vector.shape_cast %swap3A_1008 : vector<1x16xf32> to vector<16xf32>
      %swap3A_1010 = vector.shape_cast %select_n3A_1004 : vector<16xf32> to vector<1x16xf32>
      tpu.vector_store %arg7[%swap3A_1006, %swap3A_1007], %swap3A_1010 {strides = array<i32>} : memref<8x256xf32, #tpu.memory_space<vmem>>, vector<1x16xf32>,
      %jit3A_1011 = arith.constant 1 : i32
      %jit3A_1012 = arith.constant 0 : i32
      %broadcast_in_dim3A_1013 = vector.broadcast %jit3A_1011 : i32 to vector<16xi32>
      %broadcast_in_dim3A_1014 = vector.broadcast %jit3A_1012 : i32 to vector<16xi32>
      %select_n3A_1015 = arith.select %le3A_999, %broadcast_in_dim3A_1013, %broadcast_in_dim3A_1014 : vector<16xi1>, vector<16xi32>
      %add3A_1016 = arith.addi %add3A_856, %select_n3A_1015 : vector<16xi32>
      %jit3A_1017 = arith.constant 0.000000e+00 : f32
      %broadcast_in_dim3A_1018 = vector.broadcast %jit3A_1017 : f32 to vector<16xf32>
      %select_n3A_1019 = arith.select %le3A_999, %get3A_109, %broadcast_in_dim3A_1018 : vector<16xi1>, vector<16xf32>
      %eq3A_1020 = arith.constant 0 : i32
      %eq3A_1021 = vector.broadcast %eq3A_1020 : i32 to vector<16xi32>
      %eq3A_1022 = arith.cmpi eq, %add3A_996, %eq3A_1021 : vector<16xi32>
      %jit3A_1023 = arith.constant 0.000000e+00 : f32
      %broadcast_in_dim3A_1024 = vector.broadcast %jit3A_1023 : f32 to vector<16xf32>
      %select_n3A_1025 = arith.select %eq3A_1022, %select_n3A_1019, %broadcast_in_dim3A_1024 : vector<16xi1>, vector<16xf32>
      %add3A_1026 = arith.addf %add3A_866, %select_n3A_1025 : vector<16xf32>
      %eq3A_1027 = arith.constant 1 : i32
      %eq3A_1028 = vector.broadcast %eq3A_1027 : i32 to vector<16xi32>
      %eq3A_1029 = arith.cmpi eq, %add3A_996, %eq3A_1028 : vector<16xi32>
      %jit3A_1030 = arith.constant 0.000000e+00 : f32
      %broadcast_in_dim3A_1031 = vector.broadcast %jit3A_1030 : f32 to vector<16xf32>
      %select_n3A_1032 = arith.select %eq3A_1029, %select_n3A_1019, %broadcast_in_dim3A_1031 : vector<16xi1>, vector<16xf32>
      %add3A_1033 = arith.addf %add3A_873, %select_n3A_1032 : vector<16xf32>
      %eq3A_1034 = arith.constant 2 : i32
      %eq3A_1035 = vector.broadcast %eq3A_1034 : i32 to vector<16xi32>
      %eq3A_1036 = arith.cmpi eq, %add3A_996, %eq3A_1035 : vector<16xi32>
      %jit3A_1037 = arith.constant 0.000000e+00 : f32
      %broadcast_in_dim3A_1038 = vector.broadcast %jit3A_1037 : f32 to vector<16xf32>
      %select_n3A_1039 = arith.select %eq3A_1036, %select_n3A_1019, %broadcast_in_dim3A_1038 : vector<16xi1>, vector<16xf32>
      %add3A_1040 = arith.addf %add3A_880, %select_n3A_1039 : vector<16xf32>
      %eq3A_1041 = arith.constant 3 : i32
      %eq3A_1042 = vector.broadcast %eq3A_1041 : i32 to vector<16xi32>
      %eq3A_1043 = arith.cmpi eq, %add3A_996, %eq3A_1042 : vector<16xi32>
      %jit3A_1044 = arith.constant 0.000000e+00 : f32
      %broadcast_in_dim3A_1045 = vector.broadcast %jit3A_1044 : f32 to vector<16xf32>
      %select_n3A_1046 = arith.select %eq3A_1043, %select_n3A_1019, %broadcast_in_dim3A_1045 : vector<16xi1>, vector<16xf32>
      %add3A_1047 = arith.addf %add3A_887, %select_n3A_1046 : vector<16xf32>
      %eq3A_1048 = arith.constant 4 : i32
      %eq3A_1049 = vector.broadcast %eq3A_1048 : i32 to vector<16xi32>
      %eq3A_1050 = arith.cmpi eq, %add3A_996, %eq3A_1049 : vector<16xi32>
      %jit3A_1051 = arith.constant 0.000000e+00 : f32
      %broadcast_in_dim3A_1052 = vector.broadcast %jit3A_1051 : f32 to vector<16xf32>
      %select_n3A_1053 = arith.select %eq3A_1050, %select_n3A_1019, %broadcast_in_dim3A_1052 : vector<16xi1>, vector<16xf32>
      %add3A_1054 = arith.addf %add3A_894, %select_n3A_1053 : vector<16xf32>
      %eq3A_1055 = arith.constant 5 : i32
      %eq3A_1056 = vector.broadcast %eq3A_1055 : i32 to vector<16xi32>
      %eq3A_1057 = arith.cmpi eq, %add3A_996, %eq3A_1056 : vector<16xi32>
      %jit3A_1058 = arith.constant 0.000000e+00 : f32
      %broadcast_in_dim3A_1059 = vector.broadcast %jit3A_1058 : f32 to vector<16xf32>
      %select_n3A_1060 = arith.select %eq3A_1057, %select_n3A_1019, %broadcast_in_dim3A_1059 : vector<16xi1>, vector<16xf32>
      %add3A_1061 = arith.addf %add3A_901, %select_n3A_1060 : vector<16xf32>
      %eq3A_1062 = arith.constant 6 : i32
      %eq3A_1063 = vector.broadcast %eq3A_1062 : i32 to vector<16xi32>
      %eq3A_1064 = arith.cmpi eq, %add3A_996, %eq3A_1063 : vector<16xi32>
      %jit3A_1065 = arith.constant 0.000000e+00 : f32
      %broadcast_in_dim3A_1066 = vector.broadcast %jit3A_1065 : f32 to vector<16xf32>
      %select_n3A_1067 = arith.select %eq3A_1064, %select_n3A_1019, %broadcast_in_dim3A_1066 : vector<16xi1>, vector<16xf32>
      %add3A_1068 = arith.addf %add3A_908, %select_n3A_1067 : vector<16xf32>
      %eq3A_1069 = arith.constant 7 : i32
      %eq3A_1070 = vector.broadcast %eq3A_1069 : i32 to vector<16xi32>
      %eq3A_1071 = arith.cmpi eq, %add3A_996, %eq3A_1070 : vector<16xi32>
      %jit3A_1072 = arith.constant 0.000000e+00 : f32
      %broadcast_in_dim3A_1073 = vector.broadcast %jit3A_1072 : f32 to vector<16xf32>
      %select_n3A_1074 = arith.select %eq3A_1071, %select_n3A_1019, %broadcast_in_dim3A_1073 : vector<16xi1>, vector<16xf32>
      %add3A_1075 = arith.addf %add3A_915, %select_n3A_1074 : vector<16xf32>
      %broadcast_in_dim3A_1076 = arith.constant 0.000000e+00 : f32
      %broadcast_in_dim3A_1077 = vector.broadcast %broadcast_in_dim3A_1076 : f32 to vector<16xf32>
      %broadcast_in_dim3A_1078 = arith.constant 0 : i32
      %broadcast_in_dim3A_1079 = vector.broadcast %broadcast_in_dim3A_1078 : i32 to vector<16xi32>
      %ge3A_1080 = arith.cmpf oge, %get3A_84, %get3A_114 : vector<16xf32>
      %jit3A_1081 = arith.constant 0.000000e+00 : f32
      %broadcast_in_dim3A_1082 = vector.broadcast %jit3A_1081 : f32 to vector<16xf32>
      %select_n3A_1083 = arith.select %ge3A_1080, %get3A_84, %broadcast_in_dim3A_1082 : vector<16xi1>, vector<16xf32>
      %add3A_1084 = arith.addf %broadcast_in_dim3A_1077, %select_n3A_1083 : vector<16xf32>
      %jit3A_1085 = arith.constant 1 : i32
      %jit3A_1086 = arith.constant 0 : i32
      %broadcast_in_dim3A_1087 = vector.broadcast %jit3A_1085 : i32 to vector<16xi32>
      %broadcast_in_dim3A_1088 = vector.broadcast %jit3A_1086 : i32 to vector<16xi32>
      %select_n3A_1089 = arith.select %ge3A_1080, %broadcast_in_dim3A_1087, %broadcast_in_dim3A_1088 : vector<16xi1>, vector<16xi32>
      %add3A_1090 = arith.addi %broadcast_in_dim3A_1079, %select_n3A_1089 : vector<16xi32>
      %ge3A_1091 = arith.cmpf oge, %get3A_89, %get3A_114 : vector<16xf32>
      %jit3A_1092 = arith.constant 0.000000e+00 : f32
      %broadcast_in_dim3A_1093 = vector.broadcast %jit3A_1092 : f32 to vector<16xf32>
      %select_n3A_1094 = arith.select %ge3A_1091, %get3A_89, %broadcast_in_dim3A_1093 : vector<16xi1>, vector<16xf32>
      %add3A_1095 = arith.addf %add3A_1084, %select_n3A_1094 : vector<16xf32>
      %jit3A_1096 = arith.constant 1 : i32
      %jit3A_1097 = arith.constant 0 : i32
      %broadcast_in_dim3A_1098 = vector.broadcast %jit3A_1096 : i32 to vector<16xi32>
      %broadcast_in_dim3A_1099 = vector.broadcast %jit3A_1097 : i32 to vector<16xi32>
      %select_n3A_1100 = arith.select %ge3A_1091, %broadcast_in_dim3A_1098, %broadcast_in_dim3A_1099 : vector<16xi1>, vector<16xi32>
      %add3A_1101 = arith.addi %add3A_1090, %select_n3A_1100 : vector<16xi32>
      %ge3A_1102 = arith.cmpf oge, %get3A_94, %get3A_114 : vector<16xf32>
      %jit3A_1103 = arith.constant 0.000000e+00 : f32
      %broadcast_in_dim3A_1104 = vector.broadcast %jit3A_1103 : f32 to vector<16xf32>
      %select_n3A_1105 = arith.select %ge3A_1102, %get3A_94, %broadcast_in_dim3A_1104 : vector<16xi1>, vector<16xf32>
      %add3A_1106 = arith.addf %add3A_1095, %select_n3A_1105 : vector<16xf32>
      %jit3A_1107 = arith.constant 1 : i32
      %jit3A_1108 = arith.constant 0 : i32
      %broadcast_in_dim3A_1109 = vector.broadcast %jit3A_1107 : i32 to vector<16xi32>
      %broadcast_in_dim3A_1110 = vector.broadcast %jit3A_1108 : i32 to vector<16xi32>
      %select_n3A_1111 = arith.select %ge3A_1102, %broadcast_in_dim3A_1109, %broadcast_in_dim3A_1110 : vector<16xi1>, vector<16xi32>
      %add3A_1112 = arith.addi %add3A_1101, %select_n3A_1111 : vector<16xi32>
      %ge3A_1113 = arith.cmpf oge, %get3A_99, %get3A_114 : vector<16xf32>
      %jit3A_1114 = arith.constant 0.000000e+00 : f32
      %broadcast_in_dim3A_1115 = vector.broadcast %jit3A_1114 : f32 to vector<16xf32>
      %select_n3A_1116 = arith.select %ge3A_1113, %get3A_99, %broadcast_in_dim3A_1115 : vector<16xi1>, vector<16xf32>
      %add3A_1117 = arith.addf %add3A_1106, %select_n3A_1116 : vector<16xf32>
      %jit3A_1118 = arith.constant 1 : i32
      %jit3A_1119 = arith.constant 0 : i32
      %broadcast_in_dim3A_1120 = vector.broadcast %jit3A_1118 : i32 to vector<16xi32>
      %broadcast_in_dim3A_1121 = vector.broadcast %jit3A_1119 : i32 to vector<16xi32>
      %select_n3A_1122 = arith.select %ge3A_1113, %broadcast_in_dim3A_1120, %broadcast_in_dim3A_1121 : vector<16xi1>, vector<16xi32>
      %add3A_1123 = arith.addi %add3A_1112, %select_n3A_1122 : vector<16xi32>
      %ge3A_1124 = arith.cmpf oge, %get3A_104, %get3A_114 : vector<16xf32>
      %jit3A_1125 = arith.constant 0.000000e+00 : f32
      %broadcast_in_dim3A_1126 = vector.broadcast %jit3A_1125 : f32 to vector<16xf32>
      %select_n3A_1127 = arith.select %ge3A_1124, %get3A_104, %broadcast_in_dim3A_1126 : vector<16xi1>, vector<16xf32>
      %add3A_1128 = arith.addf %add3A_1117, %select_n3A_1127 : vector<16xf32>
      %jit3A_1129 = arith.constant 1 : i32
      %jit3A_1130 = arith.constant 0 : i32
      %broadcast_in_dim3A_1131 = vector.broadcast %jit3A_1129 : i32 to vector<16xi32>
      %broadcast_in_dim3A_1132 = vector.broadcast %jit3A_1130 : i32 to vector<16xi32>
      %select_n3A_1133 = arith.select %ge3A_1124, %broadcast_in_dim3A_1131, %broadcast_in_dim3A_1132 : vector<16xi1>, vector<16xi32>
      %add3A_1134 = arith.addi %add3A_1123, %select_n3A_1133 : vector<16xi32>
      %ge3A_1135 = arith.cmpf oge, %get3A_109, %get3A_114 : vector<16xf32>
      %jit3A_1136 = arith.constant 0.000000e+00 : f32
      %broadcast_in_dim3A_1137 = vector.broadcast %jit3A_1136 : f32 to vector<16xf32>
      %select_n3A_1138 = arith.select %ge3A_1135, %get3A_109, %broadcast_in_dim3A_1137 : vector<16xi1>, vector<16xf32>
      %add3A_1139 = arith.addf %add3A_1128, %select_n3A_1138 : vector<16xf32>
      %jit3A_1140 = arith.constant 1 : i32
      %jit3A_1141 = arith.constant 0 : i32
      %broadcast_in_dim3A_1142 = vector.broadcast %jit3A_1140 : i32 to vector<16xi32>
      %broadcast_in_dim3A_1143 = vector.broadcast %jit3A_1141 : i32 to vector<16xi32>
      %select_n3A_1144 = arith.select %ge3A_1135, %broadcast_in_dim3A_1142, %broadcast_in_dim3A_1143 : vector<16xi1>, vector<16xi32>
      %add3A_1145 = arith.addi %add3A_1134, %select_n3A_1144 : vector<16xi32>
      %gt3A_1146 = arith.cmpf ogt, %get3A_119, %get3A_114 : vector<16xf32>
      %jit3A_1147 = arith.constant 0.000000e+00 : f32
      %broadcast_in_dim3A_1148 = vector.broadcast %jit3A_1147 : f32 to vector<16xf32>
      %select_n3A_1149 = arith.select %gt3A_1146, %get3A_119, %broadcast_in_dim3A_1148 : vector<16xi1>, vector<16xf32>
      %add3A_1150 = arith.addf %add3A_1139, %select_n3A_1149 : vector<16xf32>
      %jit3A_1151 = arith.constant 1 : i32
      %jit3A_1152 = arith.constant 0 : i32
      %broadcast_in_dim3A_1153 = vector.broadcast %jit3A_1151 : i32 to vector<16xi32>
      %broadcast_in_dim3A_1154 = vector.broadcast %jit3A_1152 : i32 to vector<16xi32>
      %select_n3A_1155 = arith.select %gt3A_1146, %broadcast_in_dim3A_1153, %broadcast_in_dim3A_1154 : vector<16xi1>, vector<16xi32>
      %add3A_1156 = arith.addi %add3A_1145, %select_n3A_1155 : vector<16xi32>
      %le3A_1157 = arith.constant 0.699999988 : f32
      %le3A_1158 = vector.broadcast %le3A_1157 : f32 to vector<16xf32>
      %le3A_1159 = arith.cmpf ole, %add3A_1150, %le3A_1158 : vector<16xf32>
      %jit3A_1160 = arith.constant 1.000000e+00 : f32
      %jit3A_1161 = arith.constant 0.000000e+00 : f32
      %broadcast_in_dim3A_1162 = vector.broadcast %jit3A_1160 : f32 to vector<16xf32>
      %broadcast_in_dim3A_1163 = vector.broadcast %jit3A_1161 : f32 to vector<16xf32>
      %select_n3A_1164 = arith.select %le3A_1159, %broadcast_in_dim3A_1162, %broadcast_in_dim3A_1163 : vector<16xi1>, vector<16xf32>
      %swap3A_1165 = arith.constant 6 : i32
      %swap3A_1166 = arith.index_cast %swap3A_1165 : i32 to index
      %swap3A_1167 = arith.index_cast %mul3A_80 : i32 to index
      %swap3A_1168 = tpu.vector_load %arg7[%swap3A_1166, %swap3A_1167] {strides = array<i32>} : memref<8x256xf32, #tpu.memory_space<vmem>>, vector<1x16xf32>,
      %swap3A_1169 = vector.shape_cast %swap3A_1168 : vector<1x16xf32> to vector<16xf32>
      %swap3A_1170 = vector.shape_cast %select_n3A_1164 : vector<16xf32> to vector<1x16xf32>
      tpu.vector_store %arg7[%swap3A_1166, %swap3A_1167], %swap3A_1170 {strides = array<i32>} : memref<8x256xf32, #tpu.memory_space<vmem>>, vector<1x16xf32>,
      %jit3A_1171 = arith.constant 1 : i32
      %jit3A_1172 = arith.constant 0 : i32
      %broadcast_in_dim3A_1173 = vector.broadcast %jit3A_1171 : i32 to vector<16xi32>
      %broadcast_in_dim3A_1174 = vector.broadcast %jit3A_1172 : i32 to vector<16xi32>
      %select_n3A_1175 = arith.select %le3A_1159, %broadcast_in_dim3A_1173, %broadcast_in_dim3A_1174 : vector<16xi1>, vector<16xi32>
      %add3A_1176 = arith.addi %add3A_1016, %select_n3A_1175 : vector<16xi32>
      %jit3A_1177 = arith.constant 0.000000e+00 : f32
      %broadcast_in_dim3A_1178 = vector.broadcast %jit3A_1177 : f32 to vector<16xf32>
      %select_n3A_1179 = arith.select %le3A_1159, %get3A_114, %broadcast_in_dim3A_1178 : vector<16xi1>, vector<16xf32>
      %eq3A_1180 = arith.constant 0 : i32
      %eq3A_1181 = vector.broadcast %eq3A_1180 : i32 to vector<16xi32>
      %eq3A_1182 = arith.cmpi eq, %add3A_1156, %eq3A_1181 : vector<16xi32>
      %jit3A_1183 = arith.constant 0.000000e+00 : f32
      %broadcast_in_dim3A_1184 = vector.broadcast %jit3A_1183 : f32 to vector<16xf32>
      %select_n3A_1185 = arith.select %eq3A_1182, %select_n3A_1179, %broadcast_in_dim3A_1184 : vector<16xi1>, vector<16xf32>
      %add3A_1186 = arith.addf %add3A_1026, %select_n3A_1185 : vector<16xf32>
      %eq3A_1187 = arith.constant 1 : i32
      %eq3A_1188 = vector.broadcast %eq3A_1187 : i32 to vector<16xi32>
      %eq3A_1189 = arith.cmpi eq, %add3A_1156, %eq3A_1188 : vector<16xi32>
      %jit3A_1190 = arith.constant 0.000000e+00 : f32
      %broadcast_in_dim3A_1191 = vector.broadcast %jit3A_1190 : f32 to vector<16xf32>
      %select_n3A_1192 = arith.select %eq3A_1189, %select_n3A_1179, %broadcast_in_dim3A_1191 : vector<16xi1>, vector<16xf32>
      %add3A_1193 = arith.addf %add3A_1033, %select_n3A_1192 : vector<16xf32>
      %eq3A_1194 = arith.constant 2 : i32
      %eq3A_1195 = vector.broadcast %eq3A_1194 : i32 to vector<16xi32>
      %eq3A_1196 = arith.cmpi eq, %add3A_1156, %eq3A_1195 : vector<16xi32>
      %jit3A_1197 = arith.constant 0.000000e+00 : f32
      %broadcast_in_dim3A_1198 = vector.broadcast %jit3A_1197 : f32 to vector<16xf32>
      %select_n3A_1199 = arith.select %eq3A_1196, %select_n3A_1179, %broadcast_in_dim3A_1198 : vector<16xi1>, vector<16xf32>
      %add3A_1200 = arith.addf %add3A_1040, %select_n3A_1199 : vector<16xf32>
      %eq3A_1201 = arith.constant 3 : i32
      %eq3A_1202 = vector.broadcast %eq3A_1201 : i32 to vector<16xi32>
      %eq3A_1203 = arith.cmpi eq, %add3A_1156, %eq3A_1202 : vector<16xi32>
      %jit3A_1204 = arith.constant 0.000000e+00 : f32
      %broadcast_in_dim3A_1205 = vector.broadcast %jit3A_1204 : f32 to vector<16xf32>
      %select_n3A_1206 = arith.select %eq3A_1203, %select_n3A_1179, %broadcast_in_dim3A_1205 : vector<16xi1>, vector<16xf32>
      %add3A_1207 = arith.addf %add3A_1047, %select_n3A_1206 : vector<16xf32>
      %eq3A_1208 = arith.constant 4 : i32
      %eq3A_1209 = vector.broadcast %eq3A_1208 : i32 to vector<16xi32>
      %eq3A_1210 = arith.cmpi eq, %add3A_1156, %eq3A_1209 : vector<16xi32>
      %jit3A_1211 = arith.constant 0.000000e+00 : f32
      %broadcast_in_dim3A_1212 = vector.broadcast %jit3A_1211 : f32 to vector<16xf32>
      %select_n3A_1213 = arith.select %eq3A_1210, %select_n3A_1179, %broadcast_in_dim3A_1212 : vector<16xi1>, vector<16xf32>
      %add3A_1214 = arith.addf %add3A_1054, %select_n3A_1213 : vector<16xf32>
      %eq3A_1215 = arith.constant 5 : i32
      %eq3A_1216 = vector.broadcast %eq3A_1215 : i32 to vector<16xi32>
      %eq3A_1217 = arith.cmpi eq, %add3A_1156, %eq3A_1216 : vector<16xi32>
      %jit3A_1218 = arith.constant 0.000000e+00 : f32
      %broadcast_in_dim3A_1219 = vector.broadcast %jit3A_1218 : f32 to vector<16xf32>
      %select_n3A_1220 = arith.select %eq3A_1217, %select_n3A_1179, %broadcast_in_dim3A_1219 : vector<16xi1>, vector<16xf32>
      %add3A_1221 = arith.addf %add3A_1061, %select_n3A_1220 : vector<16xf32>
      %eq3A_1222 = arith.constant 6 : i32
      %eq3A_1223 = vector.broadcast %eq3A_1222 : i32 to vector<16xi32>
      %eq3A_1224 = arith.cmpi eq, %add3A_1156, %eq3A_1223 : vector<16xi32>
      %jit3A_1225 = arith.constant 0.000000e+00 : f32
      %broadcast_in_dim3A_1226 = vector.broadcast %jit3A_1225 : f32 to vector<16xf32>
      %select_n3A_1227 = arith.select %eq3A_1224, %select_n3A_1179, %broadcast_in_dim3A_1226 : vector<16xi1>, vector<16xf32>
      %add3A_1228 = arith.addf %add3A_1068, %select_n3A_1227 : vector<16xf32>
      %eq3A_1229 = arith.constant 7 : i32
      %eq3A_1230 = vector.broadcast %eq3A_1229 : i32 to vector<16xi32>
      %eq3A_1231 = arith.cmpi eq, %add3A_1156, %eq3A_1230 : vector<16xi32>
      %jit3A_1232 = arith.constant 0.000000e+00 : f32
      %broadcast_in_dim3A_1233 = vector.broadcast %jit3A_1232 : f32 to vector<16xf32>
      %select_n3A_1234 = arith.select %eq3A_1231, %select_n3A_1179, %broadcast_in_dim3A_1233 : vector<16xi1>, vector<16xf32>
      %add3A_1235 = arith.addf %add3A_1075, %select_n3A_1234 : vector<16xf32>
      %broadcast_in_dim3A_1236 = arith.constant 0.000000e+00 : f32
      %broadcast_in_dim3A_1237 = vector.broadcast %broadcast_in_dim3A_1236 : f32 to vector<16xf32>
      %broadcast_in_dim3A_1238 = arith.constant 0 : i32
      %broadcast_in_dim3A_1239 = vector.broadcast %broadcast_in_dim3A_1238 : i32 to vector<16xi32>
      %ge3A_1240 = arith.cmpf oge, %get3A_84, %get3A_119 : vector<16xf32>
      %jit3A_1241 = arith.constant 0.000000e+00 : f32
      %broadcast_in_dim3A_1242 = vector.broadcast %jit3A_1241 : f32 to vector<16xf32>
      %select_n3A_1243 = arith.select %ge3A_1240, %get3A_84, %broadcast_in_dim3A_1242 : vector<16xi1>, vector<16xf32>
      %add3A_1244 = arith.addf %broadcast_in_dim3A_1237, %select_n3A_1243 : vector<16xf32>
      %jit3A_1245 = arith.constant 1 : i32
      %jit3A_1246 = arith.constant 0 : i32
      %broadcast_in_dim3A_1247 = vector.broadcast %jit3A_1245 : i32 to vector<16xi32>
      %broadcast_in_dim3A_1248 = vector.broadcast %jit3A_1246 : i32 to vector<16xi32>
      %select_n3A_1249 = arith.select %ge3A_1240, %broadcast_in_dim3A_1247, %broadcast_in_dim3A_1248 : vector<16xi1>, vector<16xi32>
      %add3A_1250 = arith.addi %broadcast_in_dim3A_1239, %select_n3A_1249 : vector<16xi32>
      %ge3A_1251 = arith.cmpf oge, %get3A_89, %get3A_119 : vector<16xf32>
      %jit3A_1252 = arith.constant 0.000000e+00 : f32
      %broadcast_in_dim3A_1253 = vector.broadcast %jit3A_1252 : f32 to vector<16xf32>
      %select_n3A_1254 = arith.select %ge3A_1251, %get3A_89, %broadcast_in_dim3A_1253 : vector<16xi1>, vector<16xf32>
      %add3A_1255 = arith.addf %add3A_1244, %select_n3A_1254 : vector<16xf32>
      %jit3A_1256 = arith.constant 1 : i32
      %jit3A_1257 = arith.constant 0 : i32
      %broadcast_in_dim3A_1258 = vector.broadcast %jit3A_1256 : i32 to vector<16xi32>
      %broadcast_in_dim3A_1259 = vector.broadcast %jit3A_1257 : i32 to vector<16xi32>
      %select_n3A_1260 = arith.select %ge3A_1251, %broadcast_in_dim3A_1258, %broadcast_in_dim3A_1259 : vector<16xi1>, vector<16xi32>
      %add3A_1261 = arith.addi %add3A_1250, %select_n3A_1260 : vector<16xi32>
      %ge3A_1262 = arith.cmpf oge, %get3A_94, %get3A_119 : vector<16xf32>
      %jit3A_1263 = arith.constant 0.000000e+00 : f32
      %broadcast_in_dim3A_1264 = vector.broadcast %jit3A_1263 : f32 to vector<16xf32>
      %select_n3A_1265 = arith.select %ge3A_1262, %get3A_94, %broadcast_in_dim3A_1264 : vector<16xi1>, vector<16xf32>
      %add3A_1266 = arith.addf %add3A_1255, %select_n3A_1265 : vector<16xf32>
      %jit3A_1267 = arith.constant 1 : i32
      %jit3A_1268 = arith.constant 0 : i32
      %broadcast_in_dim3A_1269 = vector.broadcast %jit3A_1267 : i32 to vector<16xi32>
      %broadcast_in_dim3A_1270 = vector.broadcast %jit3A_1268 : i32 to vector<16xi32>
      %select_n3A_1271 = arith.select %ge3A_1262, %broadcast_in_dim3A_1269, %broadcast_in_dim3A_1270 : vector<16xi1>, vector<16xi32>
      %add3A_1272 = arith.addi %add3A_1261, %select_n3A_1271 : vector<16xi32>
      %ge3A_1273 = arith.cmpf oge, %get3A_99, %get3A_119 : vector<16xf32>
      %jit3A_1274 = arith.constant 0.000000e+00 : f32
      %broadcast_in_dim3A_1275 = vector.broadcast %jit3A_1274 : f32 to vector<16xf32>
      %select_n3A_1276 = arith.select %ge3A_1273, %get3A_99, %broadcast_in_dim3A_1275 : vector<16xi1>, vector<16xf32>
      %add3A_1277 = arith.addf %add3A_1266, %select_n3A_1276 : vector<16xf32>
      %jit3A_1278 = arith.constant 1 : i32
      %jit3A_1279 = arith.constant 0 : i32
      %broadcast_in_dim3A_1280 = vector.broadcast %jit3A_1278 : i32 to vector<16xi32>
      %broadcast_in_dim3A_1281 = vector.broadcast %jit3A_1279 : i32 to vector<16xi32>
      %select_n3A_1282 = arith.select %ge3A_1273, %broadcast_in_dim3A_1280, %broadcast_in_dim3A_1281 : vector<16xi1>, vector<16xi32>
      %add3A_1283 = arith.addi %add3A_1272, %select_n3A_1282 : vector<16xi32>
      %ge3A_1284 = arith.cmpf oge, %get3A_104, %get3A_119 : vector<16xf32>
      %jit3A_1285 = arith.constant 0.000000e+00 : f32
      %broadcast_in_dim3A_1286 = vector.broadcast %jit3A_1285 : f32 to vector<16xf32>
      %select_n3A_1287 = arith.select %ge3A_1284, %get3A_104, %broadcast_in_dim3A_1286 : vector<16xi1>, vector<16xf32>
      %add3A_1288 = arith.addf %add3A_1277, %select_n3A_1287 : vector<16xf32>
      %jit3A_1289 = arith.constant 1 : i32
      %jit3A_1290 = arith.constant 0 : i32
      %broadcast_in_dim3A_1291 = vector.broadcast %jit3A_1289 : i32 to vector<16xi32>
      %broadcast_in_dim3A_1292 = vector.broadcast %jit3A_1290 : i32 to vector<16xi32>
      %select_n3A_1293 = arith.select %ge3A_1284, %broadcast_in_dim3A_1291, %broadcast_in_dim3A_1292 : vector<16xi1>, vector<16xi32>
      %add3A_1294 = arith.addi %add3A_1283, %select_n3A_1293 : vector<16xi32>
      %ge3A_1295 = arith.cmpf oge, %get3A_109, %get3A_119 : vector<16xf32>
      %jit3A_1296 = arith.constant 0.000000e+00 : f32
      %broadcast_in_dim3A_1297 = vector.broadcast %jit3A_1296 : f32 to vector<16xf32>
      %select_n3A_1298 = arith.select %ge3A_1295, %get3A_109, %broadcast_in_dim3A_1297 : vector<16xi1>, vector<16xf32>
      %add3A_1299 = arith.addf %add3A_1288, %select_n3A_1298 : vector<16xf32>
      %jit3A_1300 = arith.constant 1 : i32
      %jit3A_1301 = arith.constant 0 : i32
      %broadcast_in_dim3A_1302 = vector.broadcast %jit3A_1300 : i32 to vector<16xi32>
      %broadcast_in_dim3A_1303 = vector.broadcast %jit3A_1301 : i32 to vector<16xi32>
      %select_n3A_1304 = arith.select %ge3A_1295, %broadcast_in_dim3A_1302, %broadcast_in_dim3A_1303 : vector<16xi1>, vector<16xi32>
      %add3A_1305 = arith.addi %add3A_1294, %select_n3A_1304 : vector<16xi32>
      %ge3A_1306 = arith.cmpf oge, %get3A_114, %get3A_119 : vector<16xf32>
      %jit3A_1307 = arith.constant 0.000000e+00 : f32
      %broadcast_in_dim3A_1308 = vector.broadcast %jit3A_1307 : f32 to vector<16xf32>
      %select_n3A_1309 = arith.select %ge3A_1306, %get3A_114, %broadcast_in_dim3A_1308 : vector<16xi1>, vector<16xf32>
      %add3A_1310 = arith.addf %add3A_1299, %select_n3A_1309 : vector<16xf32>
      %jit3A_1311 = arith.constant 1 : i32
      %jit3A_1312 = arith.constant 0 : i32
      %broadcast_in_dim3A_1313 = vector.broadcast %jit3A_1311 : i32 to vector<16xi32>
      %broadcast_in_dim3A_1314 = vector.broadcast %jit3A_1312 : i32 to vector<16xi32>
      %select_n3A_1315 = arith.select %ge3A_1306, %broadcast_in_dim3A_1313, %broadcast_in_dim3A_1314 : vector<16xi1>, vector<16xi32>
      %add3A_1316 = arith.addi %add3A_1305, %select_n3A_1315 : vector<16xi32>
      %le3A_1317 = arith.constant 0.699999988 : f32
      %le3A_1318 = vector.broadcast %le3A_1317 : f32 to vector<16xf32>
      %le3A_1319 = arith.cmpf ole, %add3A_1310, %le3A_1318 : vector<16xf32>
      %jit3A_1320 = arith.constant 1.000000e+00 : f32
      %jit3A_1321 = arith.constant 0.000000e+00 : f32
      %broadcast_in_dim3A_1322 = vector.broadcast %jit3A_1320 : f32 to vector<16xf32>
      %broadcast_in_dim3A_1323 = vector.broadcast %jit3A_1321 : f32 to vector<16xf32>
      %select_n3A_1324 = arith.select %le3A_1319, %broadcast_in_dim3A_1322, %broadcast_in_dim3A_1323 : vector<16xi1>, vector<16xf32>
      %swap3A_1325 = arith.constant 7 : i32
      %swap3A_1326 = arith.index_cast %swap3A_1325 : i32 to index
      %swap3A_1327 = arith.index_cast %mul3A_80 : i32 to index
      %swap3A_1328 = tpu.vector_load %arg7[%swap3A_1326, %swap3A_1327] {strides = array<i32>} : memref<8x256xf32, #tpu.memory_space<vmem>>, vector<1x16xf32>,
      %swap3A_1329 = vector.shape_cast %swap3A_1328 : vector<1x16xf32> to vector<16xf32>
      %swap3A_1330 = vector.shape_cast %select_n3A_1324 : vector<16xf32> to vector<1x16xf32>
      tpu.vector_store %arg7[%swap3A_1326, %swap3A_1327], %swap3A_1330 {strides = array<i32>} : memref<8x256xf32, #tpu.memory_space<vmem>>, vector<1x16xf32>,
      %jit3A_1331 = arith.constant 1 : i32
      %jit3A_1332 = arith.constant 0 : i32
      %broadcast_in_dim3A_1333 = vector.broadcast %jit3A_1331 : i32 to vector<16xi32>
      %broadcast_in_dim3A_1334 = vector.broadcast %jit3A_1332 : i32 to vector<16xi32>
      %select_n3A_1335 = arith.select %le3A_1319, %broadcast_in_dim3A_1333, %broadcast_in_dim3A_1334 : vector<16xi1>, vector<16xi32>
      %add3A_1336 = arith.addi %add3A_1176, %select_n3A_1335 : vector<16xi32>
      %jit3A_1337 = arith.constant 0.000000e+00 : f32
      %broadcast_in_dim3A_1338 = vector.broadcast %jit3A_1337 : f32 to vector<16xf32>
      %select_n3A_1339 = arith.select %le3A_1319, %get3A_119, %broadcast_in_dim3A_1338 : vector<16xi1>, vector<16xf32>
      %eq3A_1340 = arith.constant 0 : i32
      %eq3A_1341 = vector.broadcast %eq3A_1340 : i32 to vector<16xi32>
      %eq3A_1342 = arith.cmpi eq, %add3A_1316, %eq3A_1341 : vector<16xi32>
      %jit3A_1343 = arith.constant 0.000000e+00 : f32
      %broadcast_in_dim3A_1344 = vector.broadcast %jit3A_1343 : f32 to vector<16xf32>
      %select_n3A_1345 = arith.select %eq3A_1342, %select_n3A_1339, %broadcast_in_dim3A_1344 : vector<16xi1>, vector<16xf32>
      %add3A_1346 = arith.addf %add3A_1186, %select_n3A_1345 : vector<16xf32>
      %eq3A_1347 = arith.constant 1 : i32
      %eq3A_1348 = vector.broadcast %eq3A_1347 : i32 to vector<16xi32>
      %eq3A_1349 = arith.cmpi eq, %add3A_1316, %eq3A_1348 : vector<16xi32>
      %jit3A_1350 = arith.constant 0.000000e+00 : f32
      %broadcast_in_dim3A_1351 = vector.broadcast %jit3A_1350 : f32 to vector<16xf32>
      %select_n3A_1352 = arith.select %eq3A_1349, %select_n3A_1339, %broadcast_in_dim3A_1351 : vector<16xi1>, vector<16xf32>
      %add3A_1353 = arith.addf %add3A_1193, %select_n3A_1352 : vector<16xf32>
      %eq3A_1354 = arith.constant 2 : i32
      %eq3A_1355 = vector.broadcast %eq3A_1354 : i32 to vector<16xi32>
      %eq3A_1356 = arith.cmpi eq, %add3A_1316, %eq3A_1355 : vector<16xi32>
      %jit3A_1357 = arith.constant 0.000000e+00 : f32
      %broadcast_in_dim3A_1358 = vector.broadcast %jit3A_1357 : f32 to vector<16xf32>
      %select_n3A_1359 = arith.select %eq3A_1356, %select_n3A_1339, %broadcast_in_dim3A_1358 : vector<16xi1>, vector<16xf32>
      %add3A_1360 = arith.addf %add3A_1200, %select_n3A_1359 : vector<16xf32>
      %eq3A_1361 = arith.constant 3 : i32
      %eq3A_1362 = vector.broadcast %eq3A_1361 : i32 to vector<16xi32>
      %eq3A_1363 = arith.cmpi eq, %add3A_1316, %eq3A_1362 : vector<16xi32>
      %jit3A_1364 = arith.constant 0.000000e+00 : f32
      %broadcast_in_dim3A_1365 = vector.broadcast %jit3A_1364 : f32 to vector<16xf32>
      %select_n3A_1366 = arith.select %eq3A_1363, %select_n3A_1339, %broadcast_in_dim3A_1365 : vector<16xi1>, vector<16xf32>
      %add3A_1367 = arith.addf %add3A_1207, %select_n3A_1366 : vector<16xf32>
      %eq3A_1368 = arith.constant 4 : i32
      %eq3A_1369 = vector.broadcast %eq3A_1368 : i32 to vector<16xi32>
      %eq3A_1370 = arith.cmpi eq, %add3A_1316, %eq3A_1369 : vector<16xi32>
      %jit3A_1371 = arith.constant 0.000000e+00 : f32
      %broadcast_in_dim3A_1372 = vector.broadcast %jit3A_1371 : f32 to vector<16xf32>
      %select_n3A_1373 = arith.select %eq3A_1370, %select_n3A_1339, %broadcast_in_dim3A_1372 : vector<16xi1>, vector<16xf32>
      %add3A_1374 = arith.addf %add3A_1214, %select_n3A_1373 : vector<16xf32>
      %eq3A_1375 = arith.constant 5 : i32
      %eq3A_1376 = vector.broadcast %eq3A_1375 : i32 to vector<16xi32>
      %eq3A_1377 = arith.cmpi eq, %add3A_1316, %eq3A_1376 : vector<16xi32>
      %jit3A_1378 = arith.constant 0.000000e+00 : f32
      %broadcast_in_dim3A_1379 = vector.broadcast %jit3A_1378 : f32 to vector<16xf32>
      %select_n3A_1380 = arith.select %eq3A_1377, %select_n3A_1339, %broadcast_in_dim3A_1379 : vector<16xi1>, vector<16xf32>
      %add3A_1381 = arith.addf %add3A_1221, %select_n3A_1380 : vector<16xf32>
      %eq3A_1382 = arith.constant 6 : i32
      %eq3A_1383 = vector.broadcast %eq3A_1382 : i32 to vector<16xi32>
      %eq3A_1384 = arith.cmpi eq, %add3A_1316, %eq3A_1383 : vector<16xi32>
      %jit3A_1385 = arith.constant 0.000000e+00 : f32
      %broadcast_in_dim3A_1386 = vector.broadcast %jit3A_1385 : f32 to vector<16xf32>
      %select_n3A_1387 = arith.select %eq3A_1384, %select_n3A_1339, %broadcast_in_dim3A_1386 : vector<16xi1>, vector<16xf32>
      %add3A_1388 = arith.addf %add3A_1228, %select_n3A_1387 : vector<16xf32>
      %eq3A_1389 = arith.constant 7 : i32
      %eq3A_1390 = vector.broadcast %eq3A_1389 : i32 to vector<16xi32>
      %eq3A_1391 = arith.cmpi eq, %add3A_1316, %eq3A_1390 : vector<16xi32>
      %jit3A_1392 = arith.constant 0.000000e+00 : f32
      %broadcast_in_dim3A_1393 = vector.broadcast %jit3A_1392 : f32 to vector<16xf32>
      %select_n3A_1394 = arith.select %eq3A_1391, %select_n3A_1339, %broadcast_in_dim3A_1393 : vector<16xi1>, vector<16xf32>
      %add3A_1395 = arith.addf %add3A_1235, %select_n3A_1394 : vector<16xf32>
      %gt3A_1396 = arith.constant 1 : i32
      %gt3A_1397 = vector.broadcast %gt3A_1396 : i32 to vector<16xi32>
      %gt3A_1398 = arith.cmpi sgt, %add3A_1336, %gt3A_1397 : vector<16xi32>
      %jit3A_1399 = arith.constant 1 : i32
      %jit3A_1400 = arith.constant 0 : i32
      %broadcast_in_dim3A_1401 = vector.broadcast %jit3A_1399 : i32 to vector<16xi32>
      %broadcast_in_dim3A_1402 = vector.broadcast %jit3A_1400 : i32 to vector<16xi32>
      %select_n3A_1403 = arith.select %gt3A_1398, %broadcast_in_dim3A_1401, %broadcast_in_dim3A_1402 : vector<16xi1>, vector<16xi32>
      %swap3A_1404 = arith.index_cast %mul3A_80 : i32 to index
      %swap3A_1405 = tpu.vector_load %arg8[%swap3A_1404] {strides = array<i32>} : memref<256xi32, #tpu.memory_space<vmem>>, vector<16xi32>,
      %swap3A_1406 = vector.shape_cast %swap3A_1405 : vector<16xi32> to vector<16xi32>
      %swap3A_1407 = vector.shape_cast %select_n3A_1403 : vector<16xi32> to vector<16xi32>
      tpu.vector_store %arg8[%swap3A_1404], %swap3A_1407 {strides = array<i32>} : memref<256xi32, #tpu.memory_space<vmem>>, vector<16xi32>,
      scf.yield %add3A_1346, %add3A_1353, %add3A_1360, %add3A_1367, %add3A_1374, %add3A_1381, %add3A_1388, %add3A_1395 : vector<16xf32>, vector<16xf32>, vector<16xf32>, vector<16xf32>, vector<16xf32>, vector<16xf32>, vector<16xf32>, vector<16xf32>
    }
    %scan3A_20 = arith.constant 16 : i32
    %swap3A = arith.constant 0 : i32
    %swap3A_21 = arith.index_cast %swap3A : i32 to index
    %swap3A_22 = arith.constant 0 : index
    %swap3A_23 = tpu.vector_load %arg9[%swap3A_21, %swap3A_22] {strides = array<i32>} : memref<8x16xf32, #tpu.memory_space<vmem>>, vector<1x16xf32>,
    %swap3A_24 = vector.shape_cast %swap3A_23 : vector<1x16xf32> to vector<16xf32>
    %swap3A_25 = vector.shape_cast %scan3A_19#0 : vector<16xf32> to vector<1x16xf32>
    tpu.vector_store %arg9[%swap3A_21, %swap3A_22], %swap3A_25 {strides = array<i32>} : memref<8x16xf32, #tpu.memory_space<vmem>>, vector<1x16xf32>,
    %swap3A_26 = arith.constant 1 : i32
    %swap3A_27 = arith.index_cast %swap3A_26 : i32 to index
    %swap3A_28 = arith.constant 0 : index
    %swap3A_29 = tpu.vector_load %arg9[%swap3A_27, %swap3A_28] {strides = array<i32>} : memref<8x16xf32, #tpu.memory_space<vmem>>, vector<1x16xf32>,
    %swap3A_30 = vector.shape_cast %swap3A_29 : vector<1x16xf32> to vector<16xf32>
    %swap3A_31 = vector.shape_cast %scan3A_19#1 : vector<16xf32> to vector<1x16xf32>
    tpu.vector_store %arg9[%swap3A_27, %swap3A_28], %swap3A_31 {strides = array<i32>} : memref<8x16xf32, #tpu.memory_space<vmem>>, vector<1x16xf32>,
    %swap3A_32 = arith.constant 2 : i32
    %swap3A_33 = arith.index_cast %swap3A_32 : i32 to index
    %swap3A_34 = arith.constant 0 : index
    %swap3A_35 = tpu.vector_load %arg9[%swap3A_33, %swap3A_34] {strides = array<i32>} : memref<8x16xf32, #tpu.memory_space<vmem>>, vector<1x16xf32>,
    %swap3A_36 = vector.shape_cast %swap3A_35 : vector<1x16xf32> to vector<16xf32>
    %swap3A_37 = vector.shape_cast %scan3A_19#2 : vector<16xf32> to vector<1x16xf32>
    tpu.vector_store %arg9[%swap3A_33, %swap3A_34], %swap3A_37 {strides = array<i32>} : memref<8x16xf32, #tpu.memory_space<vmem>>, vector<1x16xf32>,
    %swap3A_38 = arith.constant 3 : i32
    %swap3A_39 = arith.index_cast %swap3A_38 : i32 to index
    %swap3A_40 = arith.constant 0 : index
    %swap3A_41 = tpu.vector_load %arg9[%swap3A_39, %swap3A_40] {strides = array<i32>} : memref<8x16xf32, #tpu.memory_space<vmem>>, vector<1x16xf32>,
    %swap3A_42 = vector.shape_cast %swap3A_41 : vector<1x16xf32> to vector<16xf32>
    %swap3A_43 = vector.shape_cast %scan3A_19#3 : vector<16xf32> to vector<1x16xf32>
    tpu.vector_store %arg9[%swap3A_39, %swap3A_40], %swap3A_43 {strides = array<i32>} : memref<8x16xf32, #tpu.memory_space<vmem>>, vector<1x16xf32>,
    %swap3A_44 = arith.constant 4 : i32
    %swap3A_45 = arith.index_cast %swap3A_44 : i32 to index
    %swap3A_46 = arith.constant 0 : index
    %swap3A_47 = tpu.vector_load %arg9[%swap3A_45, %swap3A_46] {strides = array<i32>} : memref<8x16xf32, #tpu.memory_space<vmem>>, vector<1x16xf32>,
    %swap3A_48 = vector.shape_cast %swap3A_47 : vector<1x16xf32> to vector<16xf32>
    %swap3A_49 = vector.shape_cast %scan3A_19#4 : vector<16xf32> to vector<1x16xf32>
    tpu.vector_store %arg9[%swap3A_45, %swap3A_46], %swap3A_49 {strides = array<i32>} : memref<8x16xf32, #tpu.memory_space<vmem>>, vector<1x16xf32>,
    %swap3A_50 = arith.constant 5 : i32
    %swap3A_51 = arith.index_cast %swap3A_50 : i32 to index
    %swap3A_52 = arith.constant 0 : index
    %swap3A_53 = tpu.vector_load %arg9[%swap3A_51, %swap3A_52] {strides = array<i32>} : memref<8x16xf32, #tpu.memory_space<vmem>>, vector<1x16xf32>,
    %swap3A_54 = vector.shape_cast %swap3A_53 : vector<1x16xf32> to vector<16xf32>
    %swap3A_55 = vector.shape_cast %scan3A_19#5 : vector<16xf32> to vector<1x16xf32>
    tpu.vector_store %arg9[%swap3A_51, %swap3A_52], %swap3A_55 {strides = array<i32>} : memref<8x16xf32, #tpu.memory_space<vmem>>, vector<1x16xf32>,
    %swap3A_56 = arith.constant 6 : i32
    %swap3A_57 = arith.index_cast %swap3A_56 : i32 to index
    %swap3A_58 = arith.constant 0 : index
    %swap3A_59 = tpu.vector_load %arg9[%swap3A_57, %swap3A_58] {strides = array<i32>} : memref<8x16xf32, #tpu.memory_space<vmem>>, vector<1x16xf32>,
    %swap3A_60 = vector.shape_cast %swap3A_59 : vector<1x16xf32> to vector<16xf32>
    %swap3A_61 = vector.shape_cast %scan3A_19#6 : vector<16xf32> to vector<1x16xf32>
    tpu.vector_store %arg9[%swap3A_57, %swap3A_58], %swap3A_61 {strides = array<i32>} : memref<8x16xf32, #tpu.memory_space<vmem>>, vector<1x16xf32>,
    %swap3A_62 = arith.constant 7 : i32
    %swap3A_63 = arith.index_cast %swap3A_62 : i32 to index
    %swap3A_64 = arith.constant 0 : index
    %swap3A_65 = tpu.vector_load %arg9[%swap3A_63, %swap3A_64] {strides = array<i32>} : memref<8x16xf32, #tpu.memory_space<vmem>>, vector<1x16xf32>,
    %swap3A_66 = vector.shape_cast %swap3A_65 : vector<1x16xf32> to vector<16xf32>
    %swap3A_67 = vector.shape_cast %scan3A_19#7 : vector<16xf32> to vector<1x16xf32>
    tpu.vector_store %arg9[%swap3A_63, %swap3A_64], %swap3A_67 {strides = array<i32>} : memref<8x16xf32, #tpu.memory_space<vmem>>, vector<1x16xf32>,
    "tpu.region"() ({
      %run_scoped3A = tpu.sem_alloc : memref<!tpu.dma_semaphore, #tpu.memory_space<semaphore_mem>>
      %dma_start3A = arith.constant 0 : i32
      %dma_start3A_70 = arith.constant 0 : i32
      %dma_start3A_71 = tpu.memref_slice %arg3[%add3A, %dma_start3A, %dma_start3A_70] : memref<32x8x256xf32, #tpu.memory_space<hbm>> -> memref<1x8x256xf32, #tpu.memory_space<hbm>>
      %dma_start3A_72 = tpu.memref_squeeze %dma_start3A_71 : memref<1x8x256xf32, #tpu.memory_space<hbm>> -> memref<8x256xf32, #tpu.memory_space<hbm>>
      %dma_start3A_73 = arith.constant 0 : i32
      %dma_start3A_74 = arith.constant 0 : i32
      %dma_start3A_75 = tpu.memref_slice %arg3[%add3A, %dma_start3A_73, %dma_start3A_74] : memref<32x8x256xf32, #tpu.memory_space<hbm>> -> memref<1x8x256xf32, #tpu.memory_space<hbm>>
      %dma_start3A_76 = tpu.memref_squeeze %dma_start3A_75 : memref<1x8x256xf32, #tpu.memory_space<hbm>> -> memref<8x256xf32, #tpu.memory_space<hbm>>
      tpu.enqueue_dma source(%arg7 : memref<8x256xf32, #tpu.memory_space<vmem>>) target(%dma_start3A_76 : memref<8x256xf32, #tpu.memory_space<hbm>>) target_semaphore(%run_scoped3A : memref<!tpu.dma_semaphore, #tpu.memory_space<semaphore_mem>>)
      %dma_wait3A = arith.constant 0 : i32
      %dma_wait3A_77 = arith.constant 0 : i32
      %dma_wait3A_78 = tpu.memref_slice %arg3[%add3A, %dma_wait3A, %dma_wait3A_77] : memref<32x8x256xf32, #tpu.memory_space<hbm>> -> memref<1x8x256xf32, #tpu.memory_space<hbm>>
      %dma_wait3A_79 = tpu.memref_squeeze %dma_wait3A_78 : memref<1x8x256xf32, #tpu.memory_space<hbm>> -> memref<8x256xf32, #tpu.memory_space<hbm>>
      %dma_wait3A_80 = arith.constant 0 : i32
      %dma_wait3A_81 = arith.constant 0 : i32
      %dma_wait3A_82 = tpu.memref_slice %arg3[%add3A, %dma_wait3A_80, %dma_wait3A_81] : memref<32x8x256xf32, #tpu.memory_space<hbm>> -> memref<1x8x256xf32, #tpu.memory_space<hbm>>
      %dma_wait3A_83 = tpu.memref_squeeze %dma_wait3A_82 : memref<1x8x256xf32, #tpu.memory_space<hbm>> -> memref<8x256xf32, #tpu.memory_space<hbm>>
      tpu.wait_dma2 semaphore(%run_scoped3A : memref<!tpu.dma_semaphore, #tpu.memory_space<semaphore_mem>>) src(%arg7 : memref<8x256xf32, #tpu.memory_space<vmem>>) dst(%dma_wait3A_83 : memref<8x256xf32, #tpu.memory_space<hbm>>)
      tpu.yield
    }) : () -> ()
    %mul3A_68 = arith.constant 256 : i32
    %mul3A_69 = arith.muli %add3A, %mul3A_68 : i32
    "tpu.region"() ({
      %run_scoped3A = tpu.sem_alloc : memref<!tpu.dma_semaphore, #tpu.memory_space<semaphore_mem>>
      %dma_start3A = tpu.memref_slice %arg4[%mul3A_69] : memref<8192xi32, #tpu.memory_space<hbm>> -> memref<256xi32, #tpu.memory_space<hbm>>
      %dma_start3A_70 = tpu.memref_slice %arg4[%mul3A_69] : memref<8192xi32, #tpu.memory_space<hbm>> -> memref<256xi32, #tpu.memory_space<hbm>>
      tpu.enqueue_dma source(%arg8 : memref<256xi32, #tpu.memory_space<vmem>>) target(%dma_start3A_70 : memref<256xi32, #tpu.memory_space<hbm>>) target_semaphore(%run_scoped3A : memref<!tpu.dma_semaphore, #tpu.memory_space<semaphore_mem>>)
      %dma_wait3A = tpu.memref_slice %arg4[%mul3A_69] : memref<8192xi32, #tpu.memory_space<hbm>> -> memref<256xi32, #tpu.memory_space<hbm>>
      %dma_wait3A_71 = tpu.memref_slice %arg4[%mul3A_69] : memref<8192xi32, #tpu.memory_space<hbm>> -> memref<256xi32, #tpu.memory_space<hbm>>
      tpu.wait_dma2 semaphore(%run_scoped3A : memref<!tpu.dma_semaphore, #tpu.memory_space<semaphore_mem>>) src(%arg8 : memref<256xi32, #tpu.memory_space<vmem>>) dst(%dma_wait3A_71 : memref<256xi32, #tpu.memory_space<hbm>>)
      tpu.yield
    }) : () -> ()
    "tpu.region"() ({
      %run_scoped3A = tpu.sem_alloc : memref<!tpu.dma_semaphore, #tpu.memory_space<semaphore_mem>>
      %dma_start3A = arith.constant 0 : i32
      %dma_start3A_70 = arith.constant 0 : i32
      %dma_start3A_71 = tpu.memref_slice %arg5[%add3A, %dma_start3A, %dma_start3A_70] : memref<32x8x16xf32, #tpu.memory_space<hbm>> -> memref<1x8x16xf32, #tpu.memory_space<hbm>>
      %dma_start3A_72 = tpu.memref_squeeze %dma_start3A_71 : memref<1x8x16xf32, #tpu.memory_space<hbm>> -> memref<8x16xf32, #tpu.memory_space<hbm>>
      %dma_start3A_73 = arith.constant 0 : i32
      %dma_start3A_74 = arith.constant 0 : i32
      %dma_start3A_75 = tpu.memref_slice %arg5[%add3A, %dma_start3A_73, %dma_start3A_74] : memref<32x8x16xf32, #tpu.memory_space<hbm>> -> memref<1x8x16xf32, #tpu.memory_space<hbm>>
      %dma_start3A_76 = tpu.memref_squeeze %dma_start3A_75 : memref<1x8x16xf32, #tpu.memory_space<hbm>> -> memref<8x16xf32, #tpu.memory_space<hbm>>
      tpu.enqueue_dma source(%arg9 : memref<8x16xf32, #tpu.memory_space<vmem>>) target(%dma_start3A_76 : memref<8x16xf32, #tpu.memory_space<hbm>>) target_semaphore(%run_scoped3A : memref<!tpu.dma_semaphore, #tpu.memory_space<semaphore_mem>>)
      %dma_wait3A = arith.constant 0 : i32
      %dma_wait3A_77 = arith.constant 0 : i32
      %dma_wait3A_78 = tpu.memref_slice %arg5[%add3A, %dma_wait3A, %dma_wait3A_77] : memref<32x8x16xf32, #tpu.memory_space<hbm>> -> memref<1x8x16xf32, #tpu.memory_space<hbm>>
      %dma_wait3A_79 = tpu.memref_squeeze %dma_wait3A_78 : memref<1x8x16xf32, #tpu.memory_space<hbm>> -> memref<8x16xf32, #tpu.memory_space<hbm>>
      %dma_wait3A_80 = arith.constant 0 : i32
      %dma_wait3A_81 = arith.constant 0 : i32
      %dma_wait3A_82 = tpu.memref_slice %arg5[%add3A, %dma_wait3A_80, %dma_wait3A_81] : memref<32x8x16xf32, #tpu.memory_space<hbm>> -> memref<1x8x16xf32, #tpu.memory_space<hbm>>
      %dma_wait3A_83 = tpu.memref_squeeze %dma_wait3A_82 : memref<1x8x16xf32, #tpu.memory_space<hbm>> -> memref<8x16xf32, #tpu.memory_space<hbm>>
      tpu.wait_dma2 semaphore(%run_scoped3A : memref<!tpu.dma_semaphore, #tpu.memory_space<semaphore_mem>>) src(%arg9 : memref<8x16xf32, #tpu.memory_space<vmem>>) dst(%dma_wait3A_83 : memref<8x16xf32, #tpu.memory_space<hbm>>)
      tpu.yield
    }) : () -> ()
    return
  }
}

module attributes {stable_mosaic.version = 14 : i64} {
  func.func @body(%arg0: memref<32x8x16xf32, #tpu.memory_space<vmem>>, %arg1: memref<1x1xf32, #tpu.memory_space<smem>>, %arg2: memref<1x1xf32, #tpu.memory_space<smem>>) attributes {dimension_semantics = [], scalar_prefetch = 0 : i64, scratch_operands = 0 : i64, tpu.core_type = #tpu.core_type<tc>} {
    %get3A = arith.constant 0 : index
    %get3A_0 = arith.constant 0 : index
    %get3A_1 = arith.constant 0 : index
    %get3A_2 = vector.load %arg0[%get3A, %get3A_0, %get3A_1] : memref<32x8x16xf32, #tpu.memory_space<vmem>>, vector<32x8x16xf32>
    %reduce_sum3A = arith.constant dense<0.000000e+00> : vector<8x16xf32>
    %reduce_sum3A_3 = vector.multi_reduction <add>, %get3A_2, %reduce_sum3A [0] : vector<32x8x16xf32> to vector<8x16xf32>
    %reduce_sum3A_4 = arith.constant dense<0.000000e+00> : vector<8xf32>
    %reduce_sum3A_5 = vector.multi_reduction <add>, %reduce_sum3A_3, %reduce_sum3A_4 [1] : vector<8x16xf32> to vector<8xf32>
    %broadcast_in_dim3A = vector.shape_cast %reduce_sum3A_5 : vector<8xf32> to vector<8x1xf32>
    %reduce_sum3A_6 = vector.shape_cast %broadcast_in_dim3A : vector<8x1xf32> to vector<1x8x1xf32>
    %reduce_sum3A_7 = arith.constant dense<0.000000e+00> : vector<1xf32>
    %reduce_sum3A_8 = vector.multi_reduction <add>, %reduce_sum3A_6, %reduce_sum3A_7 [1, 2] : vector<1x8x1xf32> to vector<1xf32>
    %reduce_sum3A_9 = vector.shape_cast %reduce_sum3A_8 : vector<1xf32> to vector<1x1x1xf32>
    %reduce_sum3A_10 = vector.extract %reduce_sum3A_9[0, 0, 0] : f32 from vector<1x1x1xf32>
    %div3A = arith.constant 8.000000e+00 : f32
    %div3A_11 = arith.divf %reduce_sum3A_10, %div3A : f32
    %sub3A = vector.broadcast %div3A_11 : f32 to vector<8x1xf32>
    %sub3A_12 = arith.subf %broadcast_in_dim3A, %sub3A : vector<8x1xf32>
    %integer_pow3A = arith.mulf %sub3A_12, %sub3A_12 : vector<8x1xf32>
    %reduce_sum3A_13 = vector.shape_cast %integer_pow3A : vector<8x1xf32> to vector<1x8x1xf32>
    %reduce_sum3A_14 = arith.constant dense<0.000000e+00> : vector<1xf32>
    %reduce_sum3A_15 = vector.multi_reduction <add>, %reduce_sum3A_13, %reduce_sum3A_14 [1, 2] : vector<1x8x1xf32> to vector<1xf32>
    %reduce_sum3A_16 = vector.shape_cast %reduce_sum3A_15 : vector<1xf32> to vector<1x1x1xf32>
    %reduce_sum3A_17 = vector.extract %reduce_sum3A_16[0, 0, 0] : f32 from vector<1x1x1xf32>
    %div3A_18 = arith.constant 7.000000e+00 : f32
    %div3A_19 = arith.divf %reduce_sum3A_17, %div3A_18 : f32
    %mul3A = arith.mulf %div3A_11, %div3A_11 : f32
    %add3A = arith.constant 1.000000e-10 : f32
    %add3A_20 = arith.addf %mul3A, %add3A : f32
    %div3A_21 = arith.divf %div3A_19, %add3A_20 : f32
    %get3A_22 = arith.constant 0 : index
    %get3A_23 = arith.constant 0 : index
    %get3A_24 = memref.load %arg1[%get3A_22, %get3A_23] : memref<1x1xf32, #tpu.memory_space<smem>>
    %div3A_25 = arith.constant 8.192000e+03 : f32
    %div3A_26 = arith.divf %get3A_24, %div3A_25 : f32
    %mul3A_27 = arith.constant 1.000000e-01 : f32
    %mul3A_28 = arith.mulf %mul3A_27, %div3A_26 : f32
    %add3A_29 = arith.addf %div3A_21, %mul3A_28 : f32
    %swap3A = arith.constant 0 : index
    %swap3A_30 = arith.constant 0 : index
    %swap3A_31 = memref.load %arg2[%swap3A, %swap3A_30] : memref<1x1xf32, #tpu.memory_space<smem>>
    memref.store %add3A_29, %arg2[%swap3A, %swap3A_30] : memref<1x1xf32, #tpu.memory_space<smem>>
    return
  }
}

module attributes {stable_mosaic.version = 14 : i64} {
  func.func @body(%arg0: i32, %arg1: memref<1024x2048xf32, #tpu.memory_space<vmem>>, %arg2: memref<8x2048xf32, #tpu.memory_space<vmem>>, %arg3: memref<4x8x256xf32, #tpu.memory_space<vmem>>, %arg4: memref<1x1xf32, #tpu.memory_space<smem>>, %arg5: memref<8x1024xf32, #tpu.memory_space<vmem>>) attributes {dimension_semantics = [#tpu.dimension_semantics<arbitrary>], iteration_bounds = array<i64: 8>, scalar_prefetch = 0 : i64, scratch_operands = 1 : i64, tpu.core_type = #tpu.core_type<tc>, window_params = [{transform_indices = @transform_0, window_bounds = array<i64: 1024, 2048>}, {pipeline_mode = #tpu.pipeline_mode<synchronous>, transform_indices = @transform_1, window_bounds = array<i64: 8, 2048>}, {transform_indices = @transform_2, window_bounds = array<i64: 4, 8, 256>}, {transform_indices = @transform_3, window_bounds = array<i64: 1, 1>}]} {
    %eq3A = arith.constant 0 : i32
    %eq3A_0 = arith.cmpi eq, %arg0, %eq3A : i32
    %convert_element_type3A = arith.extui %eq3A_0 : i1 to i32
    %cond3A = arith.constant 0 : i32
    %cond3A_1 = arith.cmpi ne, %convert_element_type3A, %cond3A : i32
    scf.if %cond3A_1 {
      %broadcast_in_dim3A_53 = arith.constant 0.000000e+00 : f32
      %broadcast_in_dim3A_54 = vector.broadcast %broadcast_in_dim3A_53 : f32 to vector<8x1024xf32>
      %swap3A_55 = arith.constant 0 : index
      %swap3A_56 = arith.constant 0 : index
      %swap3A_57 = vector.load %arg5[%swap3A_55, %swap3A_56] : memref<8x1024xf32, #tpu.memory_space<vmem>>, vector<8x1024xf32>
      tpu.vector_store %arg5[%swap3A_55, %swap3A_56], %broadcast_in_dim3A_54 {strides = array<i32>} : memref<8x1024xf32, #tpu.memory_space<vmem>>, vector<8x1024xf32>,
    } else {
    }
    %get3A = arith.constant 0 : index
    %get3A_2 = arith.constant 0 : index
    %get3A_3 = vector.load %arg1[%get3A, %get3A_2] : memref<1024x2048xf32, #tpu.memory_space<vmem>>, vector<1024x2048xf32>
    %get3A_4 = arith.constant 0 : index
    %get3A_5 = arith.constant 0 : index
    %get3A_6 = vector.load %arg2[%get3A_4, %get3A_5] : memref<8x2048xf32, #tpu.memory_space<vmem>>, vector<8x2048xf32>
    %dot_general3A = arith.constant dense<0.000000e+00> : vector<1024x8xf32>
    %dot_general3A_7 = tpu.matmul %get3A_3, %get3A_6, %dot_general3A {dimension_numbers = #tpu.dot_dimension_numbers<[1], [1], [0], [0], [0, 0, 1, 0], [], []>, transpose_lhs_hint = false} : vector<1024x2048xf32>, vector<8x2048xf32>, vector<1024x8xf32> -> vector<1024x8xf32>
    %transpose3A = tpu.transpose %dot_general3A_7, [1, 0] : vector<1024x8xf32> -> vector<8x1024xf32>
    %reduce_max3A = arith.constant dense<0xFF800000> : vector<1024xf32>
    %reduce_max3A_8 = vector.multi_reduction <maximumf>, %transpose3A, %reduce_max3A [0] : vector<8x1024xf32> to vector<1024xf32>
    %broadcast_in_dim3A = vector.shape_cast %reduce_max3A_8 : vector<1024xf32> to vector<1x1024xf32>
    %sub3A = vector.broadcast %broadcast_in_dim3A : vector<1x1024xf32> to vector<8x1024xf32>
    %sub3A_9 = arith.subf %transpose3A, %sub3A : vector<8x1024xf32>
    %exp3A = math.exp %sub3A_9 : vector<8x1024xf32>
    %reduce_sum3A = arith.constant dense<0.000000e+00> : vector<1024xf32>
    %reduce_sum3A_10 = vector.multi_reduction <add>, %exp3A, %reduce_sum3A [0] : vector<8x1024xf32> to vector<1024xf32>
    %broadcast_in_dim3A_11 = vector.shape_cast %reduce_sum3A_10 : vector<1024xf32> to vector<1x1024xf32>
    %div3A = vector.broadcast %broadcast_in_dim3A_11 : vector<1x1024xf32> to vector<8x1024xf32>
    %div3A_12 = arith.divf %exp3A, %div3A : vector<8x1024xf32>
    %slice3A = vector.extract_strided_slice %div3A_12 {offsets = [0, 0], sizes = [8, 256], strides = [1, 1]} : vector<8x1024xf32> to vector<8x256xf32>
    %swap3A = arith.constant 0 : index
    %swap3A_13 = arith.constant 0 : index
    %swap3A_14 = arith.constant 0 : index
    %swap3A_15 = vector.load %arg3[%swap3A, %swap3A_13, %swap3A_14] : memref<4x8x256xf32, #tpu.memory_space<vmem>>, vector<1x8x256xf32>
    %swap3A_16 = vector.shape_cast %swap3A_15 : vector<1x8x256xf32> to vector<8x256xf32>
    %swap3A_17 = vector.shape_cast %slice3A : vector<8x256xf32> to vector<1x8x256xf32>
    tpu.vector_store %arg3[%swap3A, %swap3A_13, %swap3A_14], %swap3A_17 {strides = array<i32>} : memref<4x8x256xf32, #tpu.memory_space<vmem>>, vector<1x8x256xf32>,
    %slice3A_18 = vector.extract_strided_slice %div3A_12 {offsets = [0, 256], sizes = [8, 256], strides = [1, 1]} : vector<8x1024xf32> to vector<8x256xf32>
    %swap3A_19 = arith.constant 1 : index
    %swap3A_20 = arith.constant 0 : index
    %swap3A_21 = arith.constant 0 : index
    %swap3A_22 = vector.load %arg3[%swap3A_19, %swap3A_20, %swap3A_21] : memref<4x8x256xf32, #tpu.memory_space<vmem>>, vector<1x8x256xf32>
    %swap3A_23 = vector.shape_cast %swap3A_22 : vector<1x8x256xf32> to vector<8x256xf32>
    %swap3A_24 = vector.shape_cast %slice3A_18 : vector<8x256xf32> to vector<1x8x256xf32>
    tpu.vector_store %arg3[%swap3A_19, %swap3A_20, %swap3A_21], %swap3A_24 {strides = array<i32>} : memref<4x8x256xf32, #tpu.memory_space<vmem>>, vector<1x8x256xf32>,
    %slice3A_25 = vector.extract_strided_slice %div3A_12 {offsets = [0, 512], sizes = [8, 256], strides = [1, 1]} : vector<8x1024xf32> to vector<8x256xf32>
    %swap3A_26 = arith.constant 2 : index
    %swap3A_27 = arith.constant 0 : index
    %swap3A_28 = arith.constant 0 : index
    %swap3A_29 = vector.load %arg3[%swap3A_26, %swap3A_27, %swap3A_28] : memref<4x8x256xf32, #tpu.memory_space<vmem>>, vector<1x8x256xf32>
    %swap3A_30 = vector.shape_cast %swap3A_29 : vector<1x8x256xf32> to vector<8x256xf32>
    %swap3A_31 = vector.shape_cast %slice3A_25 : vector<8x256xf32> to vector<1x8x256xf32>
    tpu.vector_store %arg3[%swap3A_26, %swap3A_27, %swap3A_28], %swap3A_31 {strides = array<i32>} : memref<4x8x256xf32, #tpu.memory_space<vmem>>, vector<1x8x256xf32>,
    %slice3A_32 = vector.extract_strided_slice %div3A_12 {offsets = [0, 768], sizes = [8, 256], strides = [1, 1]} : vector<8x1024xf32> to vector<8x256xf32>
    %swap3A_33 = arith.constant 3 : index
    %swap3A_34 = arith.constant 0 : index
    %swap3A_35 = arith.constant 0 : index
    %swap3A_36 = vector.load %arg3[%swap3A_33, %swap3A_34, %swap3A_35] : memref<4x8x256xf32, #tpu.memory_space<vmem>>, vector<1x8x256xf32>
    %swap3A_37 = vector.shape_cast %swap3A_36 : vector<1x8x256xf32> to vector<8x256xf32>
    %swap3A_38 = vector.shape_cast %slice3A_32 : vector<8x256xf32> to vector<1x8x256xf32>
    tpu.vector_store %arg3[%swap3A_33, %swap3A_34, %swap3A_35], %swap3A_38 {strides = array<i32>} : memref<4x8x256xf32, #tpu.memory_space<vmem>>, vector<1x8x256xf32>,
    %get3A_39 = arith.constant 0 : index
    %get3A_40 = arith.constant 0 : index
    %get3A_41 = vector.load %arg5[%get3A_39, %get3A_40] : memref<8x1024xf32, #tpu.memory_space<vmem>>, vector<8x1024xf32>
    %add3A = arith.constant 1.000000e-10 : f32
    %add3A_42 = vector.broadcast %add3A : f32 to vector<8x1024xf32>
    %add3A_43 = arith.addf %div3A_12, %add3A_42 : vector<8x1024xf32>
    %log3A = math.log %add3A_43 : vector<8x1024xf32>
    %mul3A = arith.mulf %div3A_12, %log3A : vector<8x1024xf32>
    %add3A_44 = arith.addf %get3A_41, %mul3A : vector<8x1024xf32>
    %swap3A_45 = arith.constant 0 : index
    %swap3A_46 = arith.constant 0 : index
    %swap3A_47 = vector.load %arg5[%swap3A_45, %swap3A_46] : memref<8x1024xf32, #tpu.memory_space<vmem>>, vector<8x1024xf32>
    tpu.vector_store %arg5[%swap3A_45, %swap3A_46], %add3A_44 {strides = array<i32>} : memref<8x1024xf32, #tpu.memory_space<vmem>>, vector<8x1024xf32>,
    %eq3A_48 = arith.constant 7 : i32
    %eq3A_49 = arith.cmpi eq, %arg0, %eq3A_48 : i32
    %convert_element_type3A_50 = arith.extui %eq3A_49 : i1 to i32
    %cond3A_51 = arith.constant 0 : i32
    %cond3A_52 = arith.cmpi ne, %convert_element_type3A_50, %cond3A_51 : i32
    scf.if %cond3A_52 {
      %get3A_53 = arith.constant 0 : index
      %get3A_54 = arith.constant 0 : index
      %get3A_55 = vector.load %arg5[%get3A_53, %get3A_54] : memref<8x1024xf32, #tpu.memory_space<vmem>>, vector<8x1024xf32>
      %reduce_sum3A_56 = vector.shape_cast %get3A_55 : vector<8x1024xf32> to vector<1x8x1024xf32>
      %reduce_sum3A_57 = arith.constant dense<0.000000e+00> : vector<1xf32>
      %reduce_sum3A_58 = vector.multi_reduction <add>, %reduce_sum3A_56, %reduce_sum3A_57 [1, 2] : vector<1x8x1024xf32> to vector<1xf32>
      %reduce_sum3A_59 = vector.shape_cast %reduce_sum3A_58 : vector<1xf32> to vector<1x1x1xf32>
      %reduce_sum3A_60 = vector.extract %reduce_sum3A_59[0, 0, 0] : f32 from vector<1x1x1xf32>
      %neg3A = arith.constant 0.000000e+00 : f32
      %neg3A_61 = arith.subf %neg3A, %reduce_sum3A_60 : f32
      %swap3A_62 = arith.constant 0 : index
      %swap3A_63 = arith.constant 0 : index
      %swap3A_64 = memref.load %arg4[%swap3A_62, %swap3A_63] : memref<1x1xf32, #tpu.memory_space<smem>>
      memref.store %neg3A_61, %arg4[%swap3A_62, %swap3A_63] : memref<1x1xf32, #tpu.memory_space<smem>>
    } else {
    }
    return
  }
  func.func @transform_0(%arg0: i32) -> (i32, i32) {
    %c0_i32 = arith.constant 0 : i32
    %c0_i32_0 = arith.constant 0 : i32
    return %arg0, %c0_i32 : i32, i32
  }
  func.func @transform_1(%arg0: i32) -> (i32, i32) {
    %c0_i32 = arith.constant 0 : i32
    %c0_i32_0 = arith.constant 0 : i32
    %c0_i32_1 = arith.constant 0 : i32
    return %c0_i32, %c0_i32_0 : i32, i32
  }
  func.func @transform_2(%arg0: i32) -> (i32, i32, i32) {
    %c0_i32 = arith.constant 0 : i32
    %c0_i32_0 = arith.constant 0 : i32
    %c0_i32_1 = arith.constant 0 : i32
    return %arg0, %c0_i32, %c0_i32_0 : i32, i32, i32
  }
  func.func @transform_3(%arg0: i32) -> (i32, i32) {
    %c0_i32 = arith.constant 0 : i32
    %c0_i32_0 = arith.constant 0 : i32
    %c0_i32_1 = arith.constant 0 : i32
    return %c0_i32, %c0_i32_0 : i32, i32
  }
}

</mosaic_0001>

<sc_bundles>
// kernel: kernel.5.cloned.1.call-start
scs
__scs_entry_jumppad:
0x0: {  	(pc) =	sbr.rel $0x88, $3  }
0x1: {  	(tag) =	ssettag $0x0;
	lr =	simm.s32 $0x1  }
0x2: {  	[smem:$0x3F9F] =	sst lr;
	_ =	strace $0xD0000000  }
0x3: {  	_ = 	snop  }
0x4: {  	_ = 	snop  }
0x5: {  	_ = 	snop  }
0x6: {  	_ = 	snop  }
0x7: {  	_ = 	snop  }
__scs_overlays_trampoline_lowered:
0x8: {  	[smem:$0x3FAE] =	sst s0  }
0x9: {  	[smem:$0x3FAF] =	sst s1  }
0xa: {  	[smem:$0x3FB0] =	sst s2  }
0xb: {  	[smem:$0x3FB1] =	sst s3  }
0xc: {  	[smem:$0x3FB2] =	sst s4  }
0xd: {  	[smem:$0x3FB3] =	sst s5  }
0xe: {  	[smem:$0x3FB4] =	sst s6  }
0xf: {  	[smem:$0x3FB5] =	sst s7  }
0x10: {  	[smem:$0x3FB6] =	sst s8  }
0x11: {  	[smem:$0x3FB7] =	sst s9;
	s0 =	simm.s32 @!p0 $0x0  }
0x12: {  	s1 =	sld [smem:$0x3F9D];
	s0 =	simm.s32 @p0 $0x1  }
0x13: {  	[smem:$0x3FB8] =	sst s0;
	s0 =	simm.s32 @!p1 $0x0  }
0x14: {  	s2 =	sld [smem:$0x3F9C];
	s0 =	simm.s32 @p1 $0x1  }
0x15: {  	[smem:$0x3FB9] =	sst s0;
	s0 =	simm.s32 @!p2 $0x0  }
0x16: {  	s3 =	sld [smem:$0x3FDB];
	s0 =	simm.s32 @p2 $0x1  }
0x17: {  	s4 =	simm.s32 $0x1BF5;
	[smem:$0x3FBB] =	sst s0  }
0x18: {  	s0 =	sld [smem:$0x3F9E];
	_ =	swait.ge [sflag:s4], $0x0  }
0x19: {  	s7 =	sld [smem:$0x3F9F]  }
0x1a: {  	s8 =	sadd.s32 $0xFFFFE003, lr  }
0x1b: {  	s9 =	sadd.s32 $0xFFFFFEF7, lr;
	s5 =	simm.s32 $0xFFFFFFFF;
	p2 =	slt.u32 s8, $0xFFFFF086  }
0x1c: {  	p1 =	slt.u32 s9, $0xF7A;
	s5 =	simm.s32 @!p2 $0x0  }
0x1d: {  	s5 =	simm.s32 @p1 $0x1;
	p0 =	seq.s32 s7, s2  }
0x1e: {  	s7 =	smul.u32 @!p0 $0xF7A, s2;
	p2 =	seq.s32 @!p0 s5, $0x0  }
0x1f: {  	s9 =	smul.u32 $0xF7A, s1;
	s8 =	simm.s32 @!p0 $0x1BF5;
	p2 =	por !p2, p0  }
0x20: {  	[sflag:s8] =	ssyncset.s32 @!p0 $0xFFFFF086;
	s6 =	sadd.s32 @!p0 s3, s7;
	s7 =	simm.s32 @!p0 $0x108  }
0x21: {  	s3 =	sadd.s32 s3, s9;
	s6 =	sadd.s32 @!p0 $0x88, s6;
	s7 =	simm.s32 @p2 $0x1082  }
0x22: {  	[simem:s7], [sflag:s8] =	dma.local @!p0 [hbm:s6], $0xF7A  }
0x23: {  	s9 =	sor.u32 $0xD0000000, s2;
	s6 =	simm.s32 $0x108;
	_ =	swait.ge @!p0 [sflag:s8], $0x0  }
0x24: {  	s3 =	sadd.s32 $0x88, s3;
	s6 =	simm.s32 @!p1 $0x1082;
	[sflag:s4] =	ssyncset.s32 $0xFFFFF086  }
0x25: {  	[simem:s6], [sflag:s4] =	dma.local [hbm:s3], $0xF7A  }
0x26: {  	[smem:$0x3F9F] =	sst s1;
	(tag) =	ssettag s2;
	_ =	strace s9  }
0x27: {  	s1 =	sld [smem:$0x3FAF]  }
0x28: {  	s2 =	sld [smem:$0x3FB0]  }
0x29: {  	s4 =	sld [smem:$0x3FB2]  }
0x2a: {  	p0 =	seq.s32 s5, $0x0;
	s5 =	sld [smem:$0x3FB3]  }
0x2b: {  	s6 =	sld [smem:$0x3FB4]  }
0x2c: {  	s7 =	sld [smem:$0x3FB5]  }
0x2d: {  	s3 =	simm.s32 $0x108;
	s8 =	sld [smem:$0x3FB6]  }
0x2e: {  	s3 =	simm.s32 @!p0 $0x1082;
	s9 =	sld [smem:$0x3FB7]  }
0x2f: {  	lr =	sadd.s32 s0, s3;
	s0 =	sld [smem:$0x3FAE]  }
0x30: {  	s3 =	sld [smem:$0x3FB1]  }
0x31: {  	[smem:$0x3FBA] =	sst s10  }
0x32: {  	s10 =	sld [smem:$0x3FB8];
	_ =	sdelay $0x3  }
0x33: {  	p0 =	seq.s32 s10, $0x1;
	s10 =	sld [smem:$0x3FBA];
	_ =	sdelay $0x3  }
0x34: {  	[smem:$0x3FBA] =	sst s10  }
0x35: {  	s10 =	sld [smem:$0x3FB9];
	_ =	sdelay $0x3  }
0x36: {  	p1 =	seq.s32 s10, $0x1;
	s10 =	sld [smem:$0x3FBA];
	_ =	sdelay $0x3  }
0x37: {  	[smem:$0x3FBA] =	sst s10  }
0x38: {  	s10 =	sld [smem:$0x3FBB]  }
0x39: {  	_ = 	snop;
	(pc) =	sbr.ind lr, $3  }
0x3a: {  	_ = 	snop  }
0x3b: {  	_ = 	snop  }
0x3c: {  	p2 =	seq.s32 s10, $0x1;
	s10 =	sld [smem:$0x3FBA]  }
0x3d: {  	_ =	shalt  }
0x3e: {  	_ =	shalt  }
0x3f: {  	_ =	shalt  }
0x40: {  	_ =	shalt  }
0x41: {  	_ =	shalt  }
0x42: {  	_ =	shalt  }
0x43: {  	_ =	shalt  }
0x44: {  	_ =	shalt  }
0x45: {  	_ =	shalt  }
0x46: {  	_ =	shalt  }
0x47: {  	_ =	shalt  }
0x48: {  	_ =	shalt  }
0x49: {  	_ =	shalt  }
0x4a: {  	_ =	shalt  }
0x4b: {  	_ =	shalt  }
0x4c: {  	_ =	shalt  }
0x4d: {  	_ =	shalt  }
0x4e: {  	_ =	shalt  }
0x4f: {  	_ =	shalt  }
0x50: {  	_ =	shalt  }
0x51: {  	_ =	shalt  }
0x52: {  	_ =	shalt  }
0x53: {  	_ =	shalt  }
0x54: {  	_ =	shalt  }
0x55: {  	_ =	shalt  }
0x56: {  	_ =	shalt  }
0x57: {  	_ =	shalt  }
0x58: {  	_ =	shalt  }
0x59: {  	_ =	shalt  }
0x5a: {  	_ =	shalt  }
0x5b: {  	_ =	shalt  }
0x5c: {  	_ =	shalt  }
0x5d: {  	_ =	shalt  }
0x5e: {  	_ =	shalt  }
0x5f: {  	_ =	shalt  }
0x60: {  	_ =	shalt  }
0x61: {  	_ =	shalt  }
0x62: {  	_ =	shalt  }
0x63: {  	_ =	shalt  }
0x64: {  	_ =	shalt  }
0x65: {  	_ =	shalt  }
0x66: {  	_ =	shalt  }
0x67: {  	_ =	shalt  }
0x68: {  	_ =	shalt  }
0x69: {  	_ =	shalt  }
0x6a: {  	_ =	shalt  }
0x6b: {  	_ =	shalt  }
0x6c: {  	_ =	shalt  }
0x6d: {  	_ =	shalt  }
0x6e: {  	_ =	shalt  }
0x6f: {  	_ =	shalt  }
0x70: {  	_ =	shalt  }
0x71: {  	_ =	shalt  }
0x72: {  	_ =	shalt  }
0x73: {  	_ =	shalt  }
0x74: {  	_ =	shalt  }
0x75: {  	_ =	shalt  }
0x76: {  	_ =	shalt  }
0x77: {  	_ =	shalt  }
0x78: {  	_ =	shalt  }
0x79: {  	_ =	shalt  }
0x7a: {  	_ =	shalt  }
0x7b: {  	_ =	shalt  }
0x7c: {  	_ =	shalt  }
0x7d: {  	_ =	shalt  }
0x7e: {  	_ =	shalt  }
0x7f: {  	_ =	shalt  }
0x80: {  	_ =	shalt  }
0x81: {  	_ =	shalt  }
0x82: {  	_ =	shalt  }
0x83: {  	_ =	shalt  }
0x84: {  	_ =	shalt  }
0x85: {  	_ =	shalt  }
0x86: {  	_ =	shalt  }
0x87: {  	_ =	shalt  }
.Lfunc_end0:
.L_simem_size_0:
called_computation_lowered:
.L_overlay_start_0:
0x88: {  	s2 =	sld [smem:$0x3FD9]  }
0x89: {  	s3 =	sld [smem:$0x3FFE];
	_ =	sdelay $0x1  }
0x8a: {  	s1 =	srdreg.scid  }
0x8b: {  	s0 =	sand.u32 $0x1, s1  }
0x8c: {  	s16 =	sshll.u32 s0, $0xA;
	s2 =	sadd.s32 s3, s2  }
0x8d: {  	s2 =	sadd.s32 s2, s16  }
0x8e: {  	[smem:$0x3FC6] =	sst s2  }
0x8f: {  	_ = 	snop  }
0x90: {  	(tm) =	ssettm $0x1  }
0x91: {  	s17 =	sld [smem:$0x3FFB];
	_ =	sdelay $0x3  }
0x92: {  	_ =	strace s17  }
0x93: {  	s2 =	sld [smem:$0x3FFC];
	_ =	sdelay $0x3  }
0x94: {  	_ =	strace s2  }
0x95: {  	s2 =	sld [smem:$0x3FFD];
	_ =	sdelay $0x3  }
0x96: {  	_ =	strace s2  }
0x97: {  	_ =	strace $0x8FFFFFFF  }
0x98: {  	s18 =	sld [smem:$0x3FDB];
	_ =	sdelay $0x1  }
0x99: {  	s19 =	simm.s32 $_scs_section_size  }
0x9a: {  	s4 =	simm.s32 $_size__tile_overlayer_lowered;
	s5 =	simm.s32 $_tile_overlayer_lowered  }
0x9b: {  	s22 =	simm.s32 $0x1BFF;
	s21 =	sshll.u32 s5, $0x1;
	s2 =	sadd.s32 s19, s18  }
0x9c: {  	s6 =	simm.s32 $0x0;
	s20 =	sshll.u32 s4, $0x1;
	s4 =	sadd.s32 s21, s2  }
0x9d: {  	[timem:s6], [sflag:s22] =	dma.local [hbm:s4], s20  }
0x9e: {  	_ =	swait.ge [sflag:s22], s20  }
0x9f: {  	s3 =	ssub.s32 $0x0, s20;
	[sflag:s22] =	ssyncset.done $0x0  }
0xa0: {  	[sflag:s22] =	ssyncadd.s32 s3;
	_ =	sdelay $0x1  }
0xa1: {  	s23 =	simm.s32 $0x1B8B  }
0xa2: {  	_ =	swait.ge [sflag:s23], $0x1  }
0xa3: {  	[sflag:s23] =	ssyncset.done $0x0  }
0xa4: {  	s25 =	simm.s32 $0x1B8E;
	s24 =	sld [smem:$0x3FFE];
	[sflag:s23] =	ssyncadd.s32 $0xFFFFFFFF  }
0xa5: {  	s26 =	simm.s32 $execute0_lowered;
	[smem:$0x3FD2] =	sst s25  }
0xa6: {  	s4 =	sshll.u32 s26, $0x1;
	_ =	strace $0x80000046;
	[dreg:$0x1] =	wrdreg $0xFFFFFFFF  }
0xa7: {  	s28 =	simm.s32 $_size_execute0_lowered;
	s2 =	sadd.s32 s2, s4;
	[dreg:$0x0] =	wrdreg $0x0  }
0xa8: {  	s4 =	sshll.u32 s28, $0x1;
	[dreg:$0x2] =	wrdreg s2  }
0xa9: {  	[dreg:$0x3] =	wrdreg s4  }
0xaa: {  	[dreg:$0x4] =	wrdreg $0xC0  }
0xab: {  	_ =	task [dreg:s6], $0x5FFFF  }
0xac: {  	[dreg:$0x1] =	wrdreg $0xFFFFFFFF  }
0xad: {  	[dreg:$0x0] =	wrdreg $0x60  }
0xae: {  	[dreg:$0x2] =	wrdreg s24  }
0xaf: {  	[dreg:$0x3] =	wrdreg $0x9  }
0xb0: {  	_ =	task.clear_ibuf [dreg:s6], $0x4FFFF;
	_ =	strace $0x90000046  }
0xb1: {  	s29 =	simm.s32 $0x9;
	_ =	strace $0x80000048  }
0xb2: {  	_ =	swait.ge [sflag:s29], $0x1  }
0xb3: {  	[sflag:s29] =	ssyncadd.s32 $0xFFFFFFFF  }
0xb4: {  	_ =	strace $0x90000048  }
0xb5: {  	_ =	sfence  }
0xb6: {  	s30 =	sld [smem:$0x0];
	_ =	sdelay $0x2  }
0xb7: {  	s31 =	sshll.u32 s1, $0xD;
	s1 =	sshrl.u32 s1, $0x2  }
0xb8: {  	s3 =	sand.u32 $0x4000, s31;
	s1 =	sadd.s32 s1, s30  }
0xb9: {  	s0 =	sor.u32 s3, s0;
	s1 =	sshll.u32 s1, $0x11  }
0xba: {  	s0 =	sor.u32 s1, s0  }
0xbb: {  	s0 =	sadd.s32 $0x8F2B, s0  }
0xbc: {  	[sflag:s0] =	ssyncadd.remote.s32 $0x1  }
0xbd: {  	_ =	sfence.sel $0xFFFF  }
0xbe: {  	[dreg:$0x0] =	wrdreg $0xFFFFFFFF;
	(pc) =	sbr.abs _section_cstart, $3  }
0xbf: {  	[dreg:$0x1] =	wrdreg $0xFFFFFFFF  }
0xc0: {  	_ =	task.clear_ibuf [dreg:s6], $0x2FFFF;
	_ =	strace $0x9FFFFFFF  }
0xc1: {  	(tm) =	ssettm $0x7FFFFFFF  }
tec
execute0_lowered:
.L_overlay_start_1:
0x0: {  	(tag) =	ssettag $0x1  }
0x1: {  	s3 =	rddreg [dreg:$0x0]  }
0x2: {  	s0 =	rddreg [dreg:$0x1]  }
0x3: {  	s4 =	srdreg.scid;
	s1 =	stileid.u32;
	s2 =	simm.s32 $0x0  }
0x4: {  	s10 =	simm.s32 $0x1000;
	s11 =	simm.s32 $0x1100;
	s12 =	simm.s32 $0x0  }
0x5: {  	s4 =	sand.u32 $0x1, s4;
	s5 =	sshll.u32 s1, $0x1;
	[smem:$0x7FF] =	sst s2  }
0x6: {  	s5 =	sor.u32 s4, s5;
	_ =	strace $0x80000047;
	s4 =	ssub.s32 $0x2, s4  }
0x7: {  	s6 =	sshll.u32 s5, $0x8;
	s7 =	sshll.u32 s5, $0x5;
	s5 =	sshll.u32 s5, $0x7  }
0x8: {  	s8 =	sshrl.u32 s4, $0x1;
	s6 =	sadd.s32 s6, s3;
	s7 =	sadd.s32 s7, s3  }
0x9: {  	s9 =	sadd.s32 s5, s3;
	s8 =	ssub.s32 s4, s8;
	s3 =	sadd.s32 $0x1200, s6  }
0xa: {  	s4 =	sadd.s32 $0x3200, s6;
	s5 =	sadd.s32 $0x5200, s7;
	s6 =	sadd.s32 $0x5600, s9  }
0xb: {  	v24 =	vimm.f32 $0.0e+00;
	v1 =	vimm.s32 $0x0;
	s7 =	smax.u32 s8, $0x1;
	s8 =	simm.s32 $0x1;
	s9 =	simm.s32 $0x800  }
.LBB2_1:
0xc: {  	[tilespmem:s2], [sflag:$0x1] =	stream.linear.gather [hbm4b:s3+s2], $0x800, $0x38;
	[tilespmem:$0x1500] =	vst v63  }
0xd: {  	v14 =	vimm.f32 $0.0e+00;
	v15 =	vimm.f32 $0.0e+00;
	_ =	swait.ge [sflag:s8], $0x800  }
0xe: {  	v16 =	vimm.f32 $0.0e+00;
	v18 =	vimm.f32 $0.0e+00;
	v19 =	vimm.f32 $0.0e+00;
	s13 =	simm.s32 $0x1000;
	[sflag:s8] =	ssyncset.done $0x0  }
0xf: {  	s14 =	simm.s32 $0x0;
	s15 =	simm.s32 $0x0;
	v21 =	vimm.f32 $0.0e+00;
	v20 =	vimm.f32 $0.0e+00;
	v22 =	vimm.f32 $0.0e+00;
	[sflag:s8] =	ssyncadd.s32 $0xFFFFF800  }
.LBB2_2:
0x10: {  	s17 =	sand.u32 $0xFFFFFC00, s14;
	s16 =	sand.u32 $0x70, s15;
	s18 =	sand.u32 $0x400, s14  }
0x11: {  	s16 =	sor.u32 s16, s18;
	s17 =	sadd.s32 s17, s15  }
0x12: {  	v10 =	vld [tilespmem:s16+$0x0];
	s20 =	sor.u32 $0x80, s17  }
0x13: {  	v8 =	vld [tilespmem:s20+$0x0]  }
0x14: {  	v7 =	vld [tilespmem:s16+$0x100]  }
0x15: {  	s19 =	sor.u32 $0x180, s17;
	v5 =	vld [tilespmem:s16+$0x200]  }
0x16: {  	s17 =	sor.u32 $0x280, s17;
	v6 =	vld [tilespmem:s19+$0x0]  }
0x17: {  	v4 =	vld [tilespmem:s17+$0x0]  }
0x18: {  	v2 =	vadd.f32 $0.0e+00, v8  }
0x19: {  	vm1 =	vgt.f32 v7, v10;
	vm0 =	vgt.f32 v8, v10  }
0x1a: {  	vm3 =	vgt.f32 v5, v10;
	v3 =	vnsel vm1, $0x0, v7;
	v2 =	vnsel vm0, $0x0, v2  }
0x1b: {  	vm2 =	vgt.f32 v6, v10;
	v12 =	vnsel vm3, $0x0, v5;
	v2 =	vadd.f32 v3, v2  }
0x1c: {  	s31 =	sor.u32 s14, s15;
	v13 =	vsel vm1, $0x1, v1;
	vm4 =	vgt.f32 v4, v10;
	v9 =	vnsel vm2, $0x0, v6;
	v3 =	vld [tilespmem:s16+$0x300]  }
0x1d: {  	s18 =	sor.u32 $0x380, s31;
	vm11 =	vge.f32 v10, v8;
	vm12 =	vgt.f32 v7, v8;
	v9 =	vadd.f32 v9, v2  }
0x1e: {  	vm1 =	vge.f32 v8, v7;
	v11 =	vsel vm0, $0x1, v1;
	v25 =	vsel vm11, $0x1, v1;
	v2 =	vld [tilespmem:s18+$0x0]  }
0x1f: {  	v27 =	vsel vm12, $0x1, v1;
	v29 =	vnsel vm1, $0x0, v8;
	v9 =	vadd.f32 v12, v9  }
0x20: {  	v37 =	vsel vm1, $0x1, v1;
	v11 =	vadd.s32 v11, v13;
	v12 =	vnsel vm4, $0x0, v4  }
0x21: {  	v13 =	vsel vm2, $0x1, v1;
	vm5 =	vgt.f32 v3, v10;
	v9 =	vadd.f32 v12, v9  }
0x22: {  	v11 =	vadd.s32 v13, v11;
	v13 =	vsel vm3, $0x1, v1;
	v12 =	vnsel vm5, $0x0, v3  }
0x23: {  	v11 =	vadd.s32 v13, v11;
	vm6 =	vgt.f32 v2, v10;
	v9 =	vadd.f32 v12, v9  }
0x24: {  	v12 =	vsel vm4, $0x1, v1;
	v13 =	vnsel vm6, $0x0, v2;
	vm4 =	vgt.f32 v6, v8  }
0x25: {  	v11 =	vadd.s32 v12, v11;
	v12 =	vsel vm5, $0x1, v1;
	vm5 =	vgt.f32 v3, v7  }
0x26: {  	v9 =	vadd.f32 v13, v9;
	v11 =	vadd.s32 v12, v11;
	v12 =	vsel vm6, $0x1, v1  }
0x27: {  	vm6 =	vgt.f32 v5, v8;
	v49 =	vnsel vm5, $0x0, v3;
	v53 =	vsel vm5, $0x1, v1  }
0x28: {  	v11 =	vadd.s32 v12, v11;
	v12 =	vadd.f32 $0.0e+00, v10;
	v26 =	vnsel vm6, $0x0, v5  }
0x29: {  	v28 =	vsel vm6, $0x1, v1;
	vm6 =	vgt.f32 v2, v7;
	vm7 =	vle.f32 v9, $6.999999880e-01  }
0x2a: {  	vm8 =	veq.s32 v11, $0x0;
	vm9 =	veq.s32 v11, $0x1;
	vm10 =	veq.s32 v11, $0x2  }
0x2b: {  	vm13 =	veq.s32 v11, $0x3;
	vm14 =	veq.s32 v11, $0x4;
	vm15 =	veq.s32 v11, $0x5  }
0x2c: {  	v51 =	vnsel vm6, $0x0, v2;
	v54 =	vsel vm6, $0x1, v1;
	v0 =	vsel vm7, $0x3F800000, v24  }
0x2d: {  	v13 =	vnsel vm7, $0x0, v10;
	v23 =	vsel vm7, $0x1, v1;
	v17 =	vnsel vm11, $0x0, v12  }
0x2e: {  	v24 =	vnsel vm12, $0x0, v7;
	vm7 =	vgt.f32 v4, v8;
	vm11 =	veq.s32 v11, $0x7  }
0x2f: {  	v45 =	vnsel vm8, $0x0, v13;
	v39 =	vnsel vm9, $0x0, v13;
	v44 =	vnsel vm10, $0x0, v13  }
0x30: {  	v17 =	vadd.f32 v24, v17;
	v47 =	vnsel vm13, $0x0, v13;
	v43 =	vnsel vm14, $0x0, v13  }
0x31: {  	v24 =	vnsel vm4, $0x0, v6;
	vm8 =	veq.s32 v11, $0x6;
	vm9 =	vgt.f32 v3, v8  }
0x32: {  	vm10 =	vgt.f32 v2, v8;
	v31 =	vnsel vm11, $0x0, v13;
	v17 =	vadd.f32 v24, v17  }
0x33: {  	[tilespmem:$0x1FFF0] =	vst v0;
	v0 =	vimm.f32 $0.0e+00;
	v24 =	vnsel vm15, $0x0, v13;
	vm15 =	vge.f32 v10, v7  }
0x34: {  	v41 =	vnsel vm10, $0x0, v2;
	v46 =	vnsel vm15, $0x0, v12;
	v17 =	vadd.f32 v26, v17  }
0x35: {  	v48 =	vsel vm15, $0x1, v1;
	v26 =	vadd.s32 v25, v27;
	v25 =	vnsel vm7, $0x0, v4  }
0x36: {  	v16 =	vadd.f32 v24, v16;
	v27 =	vsel vm4, $0x1, v1;
	v17 =	vadd.f32 v25, v17  }
0x37: {  	v30 =	vadd.f32 v29, v46;
	v26 =	vadd.s32 v27, v26;
	v27 =	vnsel vm9, $0x0, v3  }
0x38: {  	v25 =	vnsel vm8, $0x0, v13;
	v26 =	vadd.s32 v28, v26;
	v17 =	vadd.f32 v27, v17  }
0x39: {  	v15 =	vadd.f32 v25, v15;
	v25 =	vadd.f32 v31, v14;
	v27 =	vsel vm7, $0x1, v1  }
0x3a: {  	v26 =	vadd.s32 v27, v26;
	v27 =	vsel vm9, $0x1, v1;
	v17 =	vadd.f32 v41, v17  }
0x3b: {  	v42 =	vadd.s32 v27, v26;
	v26 =	vsel vm10, $0x1, v1;
	vm10 =	vgt.f32 v6, v7  }
0x3c: {  	v13 =	vadd.s32 v26, v42;
	v33 =	vnsel vm10, $0x0, v6;
	v38 =	vsel vm10, $0x1, v1  }
0x3d: {  	vm12 =	vle.f32 v17, $6.999999880e-01;
	vm13 =	veq.s32 v13, $0x0;
	vm14 =	veq.s32 v13, $0x1  }
0x3e: {  	vm8 =	veq.s32 v13, $0x2;
	vm9 =	veq.s32 v13, $0x3;
	vm11 =	veq.s32 v13, $0x4  }
0x3f: {  	v34 =	vadd.f32 v33, v30;
	vm15 =	veq.s32 v13, $0x6;
	vm7 =	veq.s32 v13, $0x7  }
0x40: {  	v11 =	vsel vm12, $0x3F800000, v0;
	v17 =	vnsel vm12, $0x0, v8;
	v32 =	vsel vm12, $0x1, v1  }
0x41: {  	vm12 =	vgt.f32 v5, v7;
	v0 =	vimm.f32 $0.0e+00;
	v27 =	vnsel vm13, $0x0, v17  }
0x42: {  	v26 =	vnsel vm14, $0x0, v17;
	v29 =	vnsel vm8, $0x0, v17;
	v28 =	vnsel vm9, $0x0, v17  }
0x43: {  	v33 =	vnsel vm11, $0x0, v17;
	vm13 =	veq.s32 v13, $0x5;
	v35 =	vnsel vm12, $0x0, v5  }
0x44: {  	vm14 =	vgt.f32 v4, v7;
	v50 =	vsel vm12, $0x1, v1;
	vm12 =	vge.f32 v10, v6  }
0x45: {  	v23 =	vadd.s32 v32, v23;
	v30 =	vnsel vm13, $0x0, v17;
	v34 =	vadd.f32 v35, v34  }
0x46: {  	v36 =	vnsel vm14, $0x0, v4;
	v35 =	vadd.s32 v37, v48;
	v52 =	vsel vm14, $0x1, v1  }
0x47: {  	vm13 =	vge.f32 v8, v6;
	v41 =	vnsel vm12, $0x0, v12;
	v55 =	vsel vm12, $0x1, v1  }
0x48: {  	vm12 =	vgt.f32 v2, v6;
	v35 =	vadd.s32 v38, v35;
	v42 =	vnsel vm13, $0x0, v8  }
0x49: {  	v60 =	vnsel vm12, $0x0, v2;
	v62 =	vsel vm12, $0x1, v1;
	v36 =	vadd.f32 v36, v34  }
0x4a: {  	vm12 =	vge.f32 v6, v5;
	v34 =	vnsel vm15, $0x0, v17;
	v35 =	vadd.s32 v50, v35  }
0x4b: {  	v46 =	vadd.f32 v42, v41;
	vm15 =	vge.f32 v7, v6;
	v36 =	vadd.f32 v49, v36  }
0x4c: {  	v13 =	vadd.s32 v52, v35;
	v52 =	vsel vm15, $0x1, v1;
	v15 =	vadd.f32 v15, v34  }
0x4d: {  	v49 =	vnsel vm15, $0x0, v7;
	v36 =	vadd.f32 v51, v36;
	v51 =	vsel vm13, $0x1, v1  }
0x4e: {  	v13 =	vadd.s32 v53, v13;
	v46 =	vadd.f32 v46, v49;
	v49 =	vadd.s32 v51, v55  }
0x4f: {  	vm8 =	vle.f32 v36, $6.999999880e-01;
	v36 =	vnsel vm7, $0x0, v17;
	v17 =	vadd.s32 v54, v13  }
0x50: {  	vm7 =	vgt.f32 v5, v6;
	v49 =	vadd.s32 v52, v49;
	v13 =	vsel vm8, $0x3F800000, v0  }
0x51: {  	v48 =	vnsel vm8, $0x0, v7;
	vm9 =	veq.s32 v17, $0x0;
	vm10 =	veq.s32 v17, $0x1  }
0x52: {  	v40 =	vsel vm8, $0x1, v1;
	vm11 =	veq.s32 v17, $0x2;
	vm14 =	veq.s32 v17, $0x3  }
0x53: {  	vm6 =	veq.s32 v17, $0x4;
	vm8 =	veq.s32 v17, $0x5;
	v50 =	vnsel vm7, $0x0, v5  }
0x54: {  	v58 =	vsel vm7, $0x1, v1;
	vm13 =	veq.s32 v17, $0x7;
	v0 =	vimm.f32 $0.0e+00  }
0x55: {  	v25 =	vadd.f32 v25, v36;
	v38 =	vnsel vm9, $0x0, v48;
	v35 =	vnsel vm10, $0x0, v48  }
0x56: {  	v37 =	vnsel vm11, $0x0, v48;
	v41 =	vnsel vm14, $0x0, v48;
	v42 =	vnsel vm6, $0x0, v48  }
0x57: {  	v50 =	vadd.f32 v46, v50;
	vm9 =	vgt.f32 v4, v6;
	v46 =	vnsel vm8, $0x0, v48  }
0x58: {  	vm10 =	vgt.f32 v3, v6;
	vm11 =	veq.s32 v17, $0x6;
	v49 =	vadd.s32 v58, v49  }
0x59: {  	v54 =	vnsel vm13, $0x0, v48;
	vm8 =	vge.f32 v10, v5;
	vm13 =	vgt.f32 v4, v5  }
0x5a: {  	v23 =	vadd.s32 v40, v23;
	v56 =	vnsel vm9, $0x0, v4;
	v57 =	vnsel vm10, $0x0, v3  }
0x5b: {  	v59 =	vsel vm9, $0x1, v1;
	v61 =	vsel vm10, $0x1, v1;
	v52 =	vnsel vm11, $0x0, v48  }
0x5c: {  	vm9 =	vge.f32 v8, v5;
	v63 =	vnsel vm8, $0x0, v12;
	vm11 =	vge.f32 v7, v5  }
0x5d: {  	v9 =	vsel vm8, $0x1, v1;
	v25 =	vadd.f32 v25, v54;
	v50 =	vadd.f32 v50, v56  }
0x5e: {  	v49 =	vadd.s32 v59, v49;
	v59 =	vnsel vm9, $0x0, v8;
	v15 =	vadd.f32 v15, v52  }
0x5f: {  	v49 =	vadd.s32 v61, v49;
	v59 =	vadd.f32 v59, v63;
	v61 =	vadd.f32 v44, v21  }
0x60: {  	v21 =	vsel vm9, $0x1, v1;
	v63 =	vadd.f32 v43, v18;
	v50 =	vadd.f32 v50, v57  }
0x61: {  	v57 =	vadd.s32 v62, v49;
	v62 =	vadd.f32 v47, v19;
	v19 =	vadd.s32 v21, v9  }
0x62: {  	v21 =	vnsel vm13, $0x0, v4;
	vm15 =	veq.s32 v57, $0x0;
	vm4 =	veq.s32 v57, $0x1  }
0x63: {  	vm5 =	veq.s32 v57, $0x2;
	vm6 =	veq.s32 v57, $0x3;
	vm7 =	veq.s32 v57, $0x4  }
0x64: {  	vm10 =	veq.s32 v57, $0x5;
	v29 =	vadd.f32 v61, v29;
	v61 =	vadd.f32 v63, v33  }
0x65: {  	v50 =	vadd.f32 v50, v60;
	v60 =	vadd.f32 v45, v22;
	v22 =	vnsel vm11, $0x0, v7  }
0x66: {  	v22 =	vadd.f32 v59, v22;
	v59 =	vadd.f32 v39, v20;
	v20 =	vnsel vm12, $0x0, v6  }
0x67: {  	v29 =	vadd.f32 v29, v37;
	vm14 =	vle.f32 v50, $6.999999880e-01;
	v27 =	vadd.f32 v60, v27  }
0x68: {  	v58 =	vnsel vm14, $0x0, v6;
	v17 =	vsel vm14, $0x3F800000, v0;
	v56 =	vsel vm14, $0x1, v1  }
0x69: {  	v20 =	vadd.f32 v22, v20;
	v22 =	vsel vm11, $0x1, v1;
	vm14 =	vgt.f32 v3, v5  }
0x6a: {  	v0 =	vimm.f32 $0.0e+00;
	v26 =	vadd.f32 v59, v26;
	v53 =	vnsel vm15, $0x0, v58  }
0x6b: {  	v55 =	vnsel vm4, $0x0, v58;
	v50 =	vnsel vm5, $0x0, v58;
	v51 =	vnsel vm6, $0x0, v58  }
0x6c: {  	v48 =	vnsel vm7, $0x0, v58;
	v49 =	vnsel vm10, $0x0, v58;
	v18 =	vadd.s32 v22, v19  }
0x6d: {  	v19 =	vnsel vm14, $0x0, v3;
	vm15 =	vgt.f32 v2, v5;
	vm4 =	veq.s32 v57, $0x6  }
0x6e: {  	vm6 =	veq.s32 v57, $0x7;
	v27 =	vadd.f32 v27, v38;
	v23 =	vadd.s32 v56, v23  }
0x6f: {  	v20 =	vadd.f32 v20, v21;
	v21 =	vsel vm12, $0x1, v1;
	v47 =	vnsel vm4, $0x0, v58  }
0x70: {  	v57 =	vnsel vm6, $0x0, v58;
	vm4 =	vge.f32 v8, v4;
	vm6 =	vge.f32 v6, v4  }
0x71: {  	v26 =	vadd.f32 v26, v35;
	v29 =	vadd.f32 v29, v50;
	v18 =	vadd.s32 v21, v18  }
0x72: {  	v21 =	vnsel vm15, $0x0, v2;
	v14 =	vnsel vm6, $0x0, v6;
	v27 =	vadd.f32 v27, v53  }
0x73: {  	v15 =	vadd.f32 v15, v47;
	v19 =	vadd.f32 v20, v19;
	v20 =	vsel vm13, $0x1, v1  }
0x74: {  	v25 =	vadd.f32 v25, v57;
	v18 =	vadd.s32 v20, v18;
	v20 =	vsel vm14, $0x1, v1  }
0x75: {  	v19 =	vadd.f32 v19, v21;
	v18 =	vadd.s32 v20, v18;
	v20 =	vsel vm15, $0x1, v1  }
0x76: {  	v26 =	vadd.f32 v26, v55;
	vm15 =	vge.f32 v10, v4;
	v18 =	vadd.s32 v20, v18  }
0x77: {  	v58 =	vnsel vm15, $0x0, v12;
	vm5 =	vle.f32 v19, $6.999999880e-01;
	vm7 =	veq.s32 v18, $0x0  }
0x78: {  	vm8 =	veq.s32 v18, $0x1;
	vm9 =	veq.s32 v18, $0x2;
	vm10 =	veq.s32 v18, $0x3  }
0x79: {  	vm11 =	veq.s32 v18, $0x4;
	vm12 =	veq.s32 v18, $0x5;
	vm13 =	veq.s32 v18, $0x6  }
0x7a: {  	vm14 =	veq.s32 v18, $0x7;
	v19 =	vnsel vm5, $0x0, v5;
	v18 =	vsel vm5, $0x3F800000, v0  }
0x7b: {  	v0 =	vnsel vm4, $0x0, v8;
	v9 =	vsel vm5, $0x1, v1;
	vm5 =	vge.f32 v7, v4  }
0x7c: {  	v45 =	vnsel vm7, $0x0, v19;
	v43 =	vnsel vm8, $0x0, v19;
	v44 =	vnsel vm9, $0x0, v19  }
0x7d: {  	v39 =	vnsel vm10, $0x0, v19;
	v21 =	vnsel vm11, $0x0, v19;
	v22 =	vnsel vm12, $0x0, v19  }
0x7e: {  	v20 =	vnsel vm13, $0x0, v19;
	v19 =	vnsel vm14, $0x0, v19;
	v0 =	vadd.f32 v0, v58  }
0x7f: {  	v58 =	vsel vm15, $0x1, v1;
	v24 =	vnsel vm5, $0x0, v7;
	v31 =	vsel vm5, $0x1, v1  }
0x80: {  	vm7 =	vge.f32 v5, v4;
	vm8 =	vgt.f32 v3, v4;
	vm9 =	vgt.f32 v2, v4  }
0x81: {  	v9 =	vadd.s32 v9, v23;
	v32 =	vnsel vm7, $0x0, v5;
	v27 =	vadd.f32 v27, v45  }
0x82: {  	v60 =	vnsel vm8, $0x0, v3;
	v26 =	vadd.f32 v26, v43;
	v0 =	vadd.f32 v0, v24  }
0x83: {  	v29 =	vadd.f32 v29, v44;
	v15 =	vadd.f32 v15, v20;
	v24 =	vsel vm4, $0x1, v1  }
0x84: {  	v19 =	vadd.f32 v25, v19;
	v24 =	vadd.s32 v24, v58;
	v0 =	vadd.f32 v0, v14  }
0x85: {  	v58 =	vsel vm8, $0x1, v1;
	v14 =	vsel vm6, $0x1, v1;
	v24 =	vadd.s32 v31, v24  }
0x86: {  	v14 =	vadd.s32 v14, v24;
	v24 =	vadd.f32 v62, v28;
	v0 =	vadd.f32 v0, v32  }
0x87: {  	vm8 =	vge.f32 v8, v3;
	v62 =	vsel vm9, $0x1, v1;
	v32 =	vsel vm7, $0x1, v1  }
0x88: {  	vm7 =	vge.f32 v10, v3;
	v24 =	vadd.f32 v24, v41;
	v0 =	vadd.f32 v0, v60  }
0x89: {  	v14 =	vadd.s32 v32, v14;
	v59 =	vsel vm7, $0x1, v1;
	v60 =	vnsel vm9, $0x0, v2  }
0x8a: {  	v14 =	vadd.s32 v58, v14;
	v24 =	vadd.f32 v24, v51;
	v0 =	vadd.f32 v0, v60  }
0x8b: {  	v58 =	vnsel vm7, $0x0, v12;
	vm9 =	vge.f32 v7, v3;
	v60 =	vnsel vm8, $0x0, v8  }
0x8c: {  	v31 =	vadd.f32 v60, v58;
	v24 =	vadd.f32 v24, v39;
	vm10 =	vle.f32 v0, $6.999999880e-01  }
0x8d: {  	v0 =	vadd.f32 v16, v30;
	v16 =	vadd.s32 v62, v14;
	v14 =	vimm.f32 $0.0e+00  }
0x8e: {  	v62 =	vnsel vm9, $0x0, v7;
	v14 =	vsel vm10, $0x3F800000, v14;
	v30 =	vsel vm10, $0x1, v1  }
0x8f: {  	v63 =	vnsel vm10, $0x0, v4;
	vm11 =	veq.s32 v16, $0x0;
	vm12 =	veq.s32 v16, $0x1  }
0x90: {  	vm13 =	veq.s32 v16, $0x2;
	vm14 =	veq.s32 v16, $0x3;
	vm15 =	veq.s32 v16, $0x4  }
0x91: {  	vm4 =	veq.s32 v16, $0x5;
	vm5 =	veq.s32 v16, $0x6;
	vm6 =	veq.s32 v16, $0x7  }
0x92: {  	v16 =	vadd.f32 v61, v42;
	v61 =	vsel vm8, $0x1, v1;
	v31 =	vadd.f32 v31, v62  }
0x93: {  	vm10 =	vge.f32 v6, v3;
	v32 =	vnsel vm11, $0x0, v63;
	v33 =	vnsel vm12, $0x0, v63  }
0x94: {  	v34 =	vnsel vm13, $0x0, v63;
	v36 =	vnsel vm14, $0x0, v63;
	v35 =	vnsel vm15, $0x0, v63  }
0x95: {  	v37 =	vnsel vm4, $0x0, v63;
	v38 =	vnsel vm5, $0x0, v63;
	v28 =	vnsel vm6, $0x0, v63  }
0x96: {  	v0 =	vadd.f32 v0, v46;
	v63 =	vsel vm9, $0x1, v1;
	v52 =	vnsel vm10, $0x0, v6  }
0x97: {  	v53 =	vsel vm10, $0x1, v1;
	vm11 =	vge.f32 v5, v3;
	vm12 =	vge.f32 v4, v3  }
0x98: {  	v40 =	vadd.s32 v61, v59;
	vm13 =	vgt.f32 v2, v3;
	v61 =	vimm.f32 $0.0e+00  }
0x99: {  	v9 =	vadd.s32 v30, v9;
	v31 =	vadd.f32 v31, v52;
	v54 =	vnsel vm11, $0x0, v5  }
0x9a: {  	v55 =	vsel vm11, $0x1, v1;
	v16 =	vadd.f32 v16, v48;
	v56 =	vnsel vm12, $0x0, v4  }
0x9b: {  	v58 =	vsel vm12, $0x1, v1;
	v40 =	vadd.s32 v63, v40;
	v59 =	vnsel vm13, $0x0, v2  }
0x9c: {  	v60 =	vsel vm13, $0x1, v1;
	vm11 =	vge.f32 v10, v2;
	v27 =	vadd.f32 v27, v32  }
0x9d: {  	vm12 =	vge.f32 v8, v2;
	v26 =	vadd.f32 v26, v33;
	v29 =	vadd.f32 v29, v34  }
0x9e: {  	vm13 =	vge.f32 v7, v2;
	v24 =	vadd.f32 v24, v36;
	v15 =	vadd.f32 v15, v38  }
0x9f: {  	v19 =	vadd.f32 v19, v28;
	v0 =	vadd.f32 v0, v49;
	v40 =	vadd.s32 v53, v40  }
0xa0: {  	v10 =	vnsel vm11, $0x0, v12;
	v12 =	vsel vm11, $0x1, v1;
	v8 =	vnsel vm12, $0x0, v8  }
0xa1: {  	v48 =	vsel vm12, $0x1, v1;
	v7 =	vnsel vm13, $0x0, v7;
	v49 =	vsel vm13, $0x1, v1  }
0xa2: {  	v31 =	vadd.f32 v31, v54;
	v23 =	vadd.s32 v55, v40;
	v16 =	vadd.f32 v16, v21  }
0xa3: {  	v8 =	vadd.f32 v8, v10;
	v10 =	vadd.s32 v48, v12;
	v23 =	vadd.s32 v58, v23  }
0xa4: {  	v0 =	vadd.f32 v0, v22;
	v31 =	vadd.f32 v31, v56;
	v23 =	vadd.s32 v60, v23  }
0xa5: {  	v7 =	vadd.f32 v8, v7;
	v16 =	vadd.f32 v16, v35;
	v8 =	vadd.s32 v49, v10  }
0xa6: {  	vm15 =	veq.s32 v23, $0x0;
	vm4 =	veq.s32 v23, $0x1;
	v31 =	vadd.f32 v31, v59  }
0xa7: {  	vm5 =	veq.s32 v23, $0x2;
	vm6 =	veq.s32 v23, $0x3;
	vm7 =	veq.s32 v23, $0x4  }
0xa8: {  	vm8 =	veq.s32 v23, $0x5;
	vm9 =	veq.s32 v23, $0x6;
	vm14 =	vle.f32 v31, $6.999999880e-01  }
0xa9: {  	vm10 =	veq.s32 v23, $0x7;
	v0 =	vadd.f32 v0, v37;
	v31 =	vsel vm14, $0x3F800000, v61  }
0xaa: {  	v62 =	vsel vm14, $0x1, v1;
	v63 =	vnsel vm14, $0x0, v3;
	vm14 =	vge.f32 v6, v2  }
0xab: {  	v45 =	vnsel vm15, $0x0, v63;
	v46 =	vnsel vm4, $0x0, v63;
	v6 =	vnsel vm14, $0x0, v6  }
0xac: {  	v47 =	vnsel vm5, $0x0, v63;
	vm15 =	vge.f32 v5, v2;
	v6 =	vadd.f32 v7, v6  }
0xad: {  	v21 =	vnsel vm6, $0x0, v63;
	v22 =	vnsel vm7, $0x0, v63;
	v5 =	vnsel vm15, $0x0, v5  }
0xae: {  	v20 =	vnsel vm8, $0x0, v63;
	vm4 =	vge.f32 v4, v2;
	v5 =	vadd.f32 v6, v5  }
0xaf: {  	v25 =	vnsel vm9, $0x0, v63;
	v23 =	vnsel vm10, $0x0, v63;
	v4 =	vnsel vm4, $0x0, v4  }
0xb0: {  	v50 =	vsel vm14, $0x1, v1;
	vm5 =	vge.f32 v3, v2;
	v4 =	vadd.f32 v5, v4  }
0xb1: {  	v9 =	vadd.s32 v62, v9;
	v51 =	vsel vm15, $0x1, v1;
	v3 =	vnsel vm5, $0x0, v3  }
0xb2: {  	v52 =	vsel vm4, $0x1, v1;
	v12 =	vadd.f32 v27, v45;
	v3 =	vadd.f32 v4, v3  }
0xb3: {  	v53 =	vadd.f32 v26, v46;
	v7 =	vadd.s32 v50, v8;
	v54 =	vadd.f32 v29, v47  }
0xb4: {  	v6 =	vadd.s32 v51, v7;
	vm6 =	vle.f32 v3, $6.999999880e-01;
	v3 =	vadd.f32 v16, v22;
	v16 =	vld [tilespmem:$0x1FFF0]  }
0xb5: {  	v55 =	vadd.f32 v24, v21;
	v56 =	vsel vm5, $0x1, v1;
	v5 =	vadd.s32 v52, v6  }
0xb6: {  	v24 =	vimm.f32 $0.0e+00;
	v0 =	vadd.f32 v0, v20;
	v5 =	vadd.s32 v56, v5  }
0xb7: {  	v59 =	vadd.f32 v15, v25;
	vm7 =	veq.s32 v5, $0x0;
	vm8 =	veq.s32 v5, $0x1  }
0xb8: {  	vm9 =	veq.s32 v5, $0x2;
	vm10 =	veq.s32 v5, $0x3;
	vm11 =	veq.s32 v5, $0x4  }
0xb9: {  	vm12 =	veq.s32 v5, $0x5;
	vm13 =	veq.s32 v5, $0x6;
	vm15 =	veq.s32 v5, $0x7;
	[tilespmem:s16+$0x800] =	vst v16  }
0xba: {  	v57 =	vsel vm6, $0x3F800000, v24;
	v58 =	vsel vm6, $0x1, v1;
	v2 =	vnsel vm6, $0x0, v2;
	[tilespmem:s20+$0x800] =	vst v11  }
0xbb: {  	v15 =	vnsel vm8, $0x0, v2;
	v7 =	vadd.s32 v58, v9;
	v60 =	vnsel vm10, $0x0, v2;
	[tilespmem:s16+$0x900] =	vst v13  }
0xbc: {  	p0 =	sne.s32 s15, $0xF0;
	v61 =	vnsel vm12, $0x0, v2;
	v62 =	vnsel vm13, $0x0, v2;
	v20 =	vadd.f32 v53, v15;
	[tilespmem:s19+$0x800] =	vst v17  }
.Ltmp0:
0xbd: {  	vm14 =	vgt.u32 v7, $0x1;
	v15 =	vadd.f32 v59, v62;
	v16 =	vnsel vm7, $0x0, v2;
	[tilespmem:s16+$0xA00] =	vst v18;
	(pc) =	sbr.rel @p0 .LBB2_2-.Ltmp0, $4  }
0xbe: {  	v63 =	vsel vm14, $0x1, v1;
	v22 =	vadd.f32 v12, v16;
	v12 =	vnsel vm11, $0x0, v2;
	[tilespmem:s17+$0x800] =	vst v14  }
0xbf: {  	v16 =	vadd.f32 v0, v61;
	v13 =	vadd.f32 v19, v23;
	v19 =	vnsel vm9, $0x0, v2;
	[tilespmem:s16+$0xB00] =	vst v31  }
0xc0: {  	v0 =	vnsel vm15, $0x0, v2;
	v21 =	vadd.f32 v54, v19;
	v19 =	vadd.f32 v55, v60;
	[tilespmem:s18+$0x800] =	vst v57  }
0xc1: {  	s14 =	sadd.s32 $0x80, s14;
	s15 =	sadd.s32 $0x10, s15;
	v18 =	vadd.f32 v3, v12;
	v14 =	vadd.f32 v13, v0;
	[tilespmem:s13+$0x0] =	vst v63;
	s13 =	sadd.s32 $0x10, s13  }
0xc2: {  	[tilespmem:$0x1100] =	vst v22  }
0xc3: {  	[tilespmem:$0x1180] =	vst v20  }
0xc4: {  	[tilespmem:$0x1200] =	vst v21  }
0xc5: {  	[tilespmem:$0x1280] =	vst v19  }
0xc6: {  	[tilespmem:$0x1380] =	vst v16  }
0xc7: {  	[tilespmem:$0x1400] =	vst v15  }
0xc8: {  	[tilespmem:$0x1300] =	vst v18  }
0xc9: {  	[tilespmem:$0x1480] =	vst v14  }
0xca: {  	[hbm4b:s4+s2] =	stream.linear.scatter [tilespmem:s9], [sflag:$0x1], $0x800, $0x38;
	[tilespmem:$0x1500] =	vst v63  }
0xcb: {  	_ =	swait.ge [sflag:s8], $0x800  }
0xcc: {  	[sflag:s8] =	ssyncset.done $0x0  }
0xcd: {  	[sflag:s8] =	ssyncadd.s32 $0xFFFFF800  }
0xce: {  	[hbm4b:s5+s2] =	stream.linear.scatter [tilespmem:s10], [sflag:$0x1], $0x100, $0x38;
	[tilespmem:$0x1500] =	vst v63  }
0xcf: {  	s12 =	sadd.s32 $0x1, s12;
	_ =	swait.ge [sflag:s8], $0x100  }
0xd0: {  	p0 =	sne.s32 s12, s7;
	[sflag:s8] =	ssyncset.done $0x0  }
.Ltmp1:
0xd1: {  	[sflag:s8] =	ssyncadd.s32 $0xFFFFFF00;
	(pc) =	sbr.rel @p0 .LBB2_1-.Ltmp1, $4  }
0xd2: {  	[hbm4b:s6+s2] =	stream.linear.scatter [tilespmem:s11], [sflag:$0x1], $0x400, $0x38;
	[tilespmem:$0x1500] =	vst v63  }
0xd3: {  	_ =	swait.ge [sflag:s8], $0x400  }
0xd4: {  	[sflag:s8] =	ssyncset.done $0x0  }
0xd5: {  	[sflag:s8] =	ssyncadd.s32 $0xFFFFFC00  }
0xd6: {  	_ =	sfence.sel $0x180000  }
0xd7: {  	[bflag:$0x0] =	sbarrier.arrive $0xFFFF  }
0xd8: {  	p0 =	sne.s32 s1, $0x0;
	_ =	strace $0x90000047  }
0xd9: {  	s0 =	sadd.s32 @!p0 $0x100000, s0;
	[bflag:$0x2] =	sbarrier.arrive $0xFFFF  }
0xda: {  	[sflag:s0] =	ssyncadd.tile.s32 @!p0 $0x1;
	_ =	shalt  }
.Lfunc_end2:
_tile_overlayer_lowered:
.L_overlay_start_2:
0xdb: {  	(tag) =	ssettag $0x2  }
0xdc: {  	s0 =	rddreg [dreg:$0x0];
	s2 =	stileid.u32  }
0xdd: {  	s1 =	rddreg [dreg:$0x1];
	p0 =	sne.s32 s2, $0x0  }
0xde: {  	s3 =	rddreg [dreg:$0x2];
	[bflag:$0x3] =	sbarrier.arrive $0xFFFF;
	s2 =	simm.s32 @!p0 $0x1C01  }
0xdf: {  	[timem:s3], [sflag:s2] =	dma.local @!p0 [hbm:s0], s1  }
0xe0: {  	s0 =	simm.s32 @!p0 $0x1  }
0xe1: {  	_ =	swait.ge @!p0 [sflag:s0], s1  }
0xe2: {  	s1 =	ssub.s32 @!p0 $0x0, s1;
	[sflag:s0] =	ssyncset.done @!p0 $0x0  }
0xe3: {  	[sflag:s0] =	ssyncadd.s32 @!p0 s1  }
0xe4: {  	[bflag:$0x3] =	sbarrier.arrive $0xFFFF  }
0xe5: {  	_ =	shalt  }

</sc_bundles>
